<compile_context>
chip_gen: v7x
topology: tpu7x:2x2x1
jax: 0.10.2.dev20260603
libtpu: 0.0.44.dev20260713+nightly
codegen_flags: <defaults>
</compile_context>

<pallas_src>
import jax
import jax.numpy as jnp
from jax import lax
from jax.experimental import pallas as pl
from jax.experimental.pallas import tpu as pltpu
from jax.experimental.pallas import tpu_sc as plsc

N_NODES = 10000
N_PAD = 10240
N_EDGES = 160000
HID = 64
NPAIR = HID // 2
L = 16
NC = 2
NS = 16
NW = NC * NS
NVB = N_NODES // L
NVB_PAD = N_PAD // L

EBLK_A = 16000
NBLK_A = N_EDGES // EBLK_A
EBLK_B = 6400
NBLK_B = N_EDGES // EBLK_B

_CBITS = 14
_CMASK = (1 << _CBITS) - 1

_NB = 2048
_EB = N_EDGES // (N_PAD // _NB)


def _dense_body(x_ref, w_ref, b_ref, ai_ref, hp_ref, pk_ref):
    acc = lax.dot_general(w_ref[...], x_ref[...], (((1,), (1,)), ((), ())),
                          preferred_element_type=jnp.float32)
    acc = acc + b_ref[...]
    he = lax.bitcast_convert_type(acc[:NPAIR].astype(jnp.bfloat16),
                                  jnp.uint16).astype(jnp.int32)
    ho = lax.bitcast_convert_type(acc[NPAIR:].astype(jnp.bfloat16),
                                  jnp.uint16).astype(jnp.int32)
    hp_ref[...] = (he << 16) | ho
    rows = ai_ref[0:1, :]
    cols = ai_ref[1:2, :]
    pk_ref[...] = ((rows << _CBITS) | cols)[None]


def _dense_packed(x, W1p, b1p, A_indices):
    n, k = x.shape
    grid = N_PAD // _NB
    return pl.pallas_call(
        _dense_body,
        grid=(grid,),
        in_specs=[
            pl.BlockSpec((_NB, k), lambda i: (i, 0)),
            pl.BlockSpec((HID, k), lambda i: (0, 0)),
            pl.BlockSpec((HID, 1), lambda i: (0, 0)),
            pl.BlockSpec((2, _EB), lambda i: (0, i)),
        ],
        out_specs=[
            pl.BlockSpec((NPAIR, _NB), lambda i: (0, i)),
            pl.BlockSpec((1, 1, _EB), lambda i: (i, 0, 0)),
        ],
        out_shape=[
            jax.ShapeDtypeStruct((NPAIR, N_PAD), jnp.int32),
            jax.ShapeDtypeStruct((N_PAD // _NB, 1, _EB), jnp.int32),
        ],
    )(x, W1p, b1p[:, None], A_indices)


def _rsqrt16(x):
    i = plsc.bitcast(x, jnp.int32)
    y = plsc.bitcast(jnp.int32(0x5F3759DF) - (i >> 1), jnp.float32)
    for _ in range(3):
        y = y * (1.5 - 0.5 * x * y * y)
    return y


_EPR = 32000


def _edge_stage_start(pk, vals, pb, vb, sems, blk, slot, eblk):
    boff = slot * eblk
    per_row = _EPR // eblk
    r = blk // per_row
    coff = pl.multiple_of(lax.rem(blk, per_row) * eblk, 128)
    off = pl.multiple_of(blk * eblk, 128)
    pltpu.async_copy(pk.at[r, 0, pl.ds(coff, eblk)],
                     pb.at[pl.ds(boff, eblk)], sems.at[slot, 0])
    pltpu.async_copy(vals.at[pl.ds(off, eblk)],
                     vb.at[pl.ds(boff, eblk)], sems.at[slot, 1])


def _edge_stage_wait(pk, vals, pb, vb, sems, blk, slot, eblk):
    boff = slot * eblk
    per_row = _EPR // eblk
    r = blk // per_row
    coff = pl.multiple_of(lax.rem(blk, per_row) * eblk, 128)
    off = pl.multiple_of(blk * eblk, 128)
    pltpu.make_async_copy(pk.at[r, 0, pl.ds(coff, eblk)],
                          pb.at[pl.ds(boff, eblk)], sems.at[slot, 0]).wait()
    pltpu.make_async_copy(vals.at[pl.ds(off, eblk)],
                          vb.at[pl.ds(boff, eblk)], sems.at[slot, 1]).wait()


def _unpack_pair(hv):
    f0 = plsc.bitcast(jnp.bitwise_and(hv, jnp.int32(-65536)), jnp.float32)
    f1 = plsc.bitcast(hv << 16, jnp.float32)
    return f0, f1


def _spmm_bn_body(hp, pk, vals, gamma, beta, w2, b2, yp_out,
                  hv, a0, a1, ybuf, pb, vb, gv, bv, wv, b2v, sems, hsems):
    c = lax.axis_index("c")
    s = lax.axis_index("s")
    wid = s * NC + c
    d0 = wid * 2

    NH = N_PAD // 2
    pltpu.async_copy(hp.at[wid, pl.ds(0, NH)], hv.at[pl.ds(0, NH)],
                     hsems.at[0])
    pltpu.async_copy(hp.at[wid, pl.ds(NH, NH)], hv.at[pl.ds(NH, NH)],
                     hsems.at[1])

    def blk_of(ci):
        return lax.rem(ci + wid, NBLK_A)

    _edge_stage_start(pk, vals, pb, vb, sems, blk_of(0), 0, EBLK_A)
    pltpu.sync_copy(gamma, gv)
    pltpu.sync_copy(beta, bv)
    pltpu.sync_copy(w2.at[0], wv)
    pltpu.sync_copy(b2, b2v)

    zero = jnp.zeros((L,), jnp.float32)

    @plsc.parallel_loop(0, NVB_PAD)
    def _(j):
        sl = pl.ds(j * L, L)
        a0[sl] = zero
        a1[sl] = zero
        ybuf[sl] = zero

    pltpu.make_async_copy(hp.at[wid, pl.ds(0, NH)], hv.at[pl.ds(0, NH)],
                          hsems.at[0]).wait()
    pltpu.make_async_copy(hp.at[wid, pl.ds(NH, NH)], hv.at[pl.ds(NH, NH)],
                          hsems.at[1]).wait()

    def chunk_body(ci, carry):
        slot = jnp.bitwise_and(ci, 1)

        @pl.when(ci + 1 < NBLK_A)
        def _():
            _edge_stage_start(pk, vals, pb, vb, sems, blk_of(ci + 1),
                              1 - slot, EBLK_A)
        _edge_stage_wait(pk, vals, pb, vb, sems, blk_of(ci), slot, EBLK_A)
        boff = slot * EBLK_A

        @plsc.parallel_loop(0, EBLK_A // L, unroll=4)
        def _(k):
            sl = pl.ds(boff + k * L, L)
            pkv = pb[sl]
            cidx = jnp.bitwise_and(pkv, _CMASK)
            ridx = pkv >> _CBITS
            v = vb[sl]
            f0, f1 = _unpack_pair(plsc.load_gather(hv, [cidx]))
            plsc.addupdate_scatter(a0, [ridx], f0 * v)
            plsc.addupdate_scatter(a1, [ridx], f1 * v)
        return carry
    lax.fori_loop(0, NBLK_A, chunk_body, 0)

    def stat(acc):
        def sb(j, carry):
            v = acc[pl.ds(j * L, L)]
            return (carry[0] + v, carry[1] + v * v)
        sv, qv = lax.fori_loop(0, NVB, sb, (zero, zero))
        return jnp.sum(sv), jnp.sum(qv)

    inv_n = 1.0 / N_NODES
    s0, q0 = stat(a0)
    s1, q1 = stat(a1)
    m0 = s0 * inv_n
    m1 = s1 * inv_n
    v0 = q0 * inv_n - m0 * m0
    v1 = q1 * inv_n - m1 * m1

    idx0 = jnp.full((L,), d0, jnp.int32)
    idx1 = jnp.full((L,), d0 + 1, jnp.int32)
    gam0 = plsc.load_gather(gv, [idx0])
    gam1 = plsc.load_gather(gv, [idx1])
    bet0 = plsc.load_gather(bv, [idx0])
    bet1 = plsc.load_gather(bv, [idx1])
    w20 = plsc.load_gather(wv, [idx0])
    w21 = plsc.load_gather(wv, [idx1])
    b2b = plsc.load_gather(b2v, [jnp.zeros((L,), jnp.int32)])

    eps = 1e-5
    inv0 = _rsqrt16(jnp.full((L,), v0) + eps) * gam0
    inv1 = _rsqrt16(jnp.full((L,), v1) + eps) * gam1
    sh0 = bet0 - jnp.full((L,), m0) * inv0
    sh1 = bet1 - jnp.full((L,), m1) * inv1
    b2add = b2b * jnp.where(wid == 0, 1.0, 0.0)

    @plsc.parallel_loop(0, NVB, unroll=4)
    def _(j):
        sl = pl.ds(j * L, L)
        t0 = jnp.maximum(a0[sl] * inv0 + sh0, 0.0)
        t1 = jnp.maximum(a1[sl] * inv1 + sh1, 0.0)
        ybuf[sl] = t0 * w20 + t1 * w21 + b2add

    pltpu.sync_copy(ybuf, yp_out.at[wid])


def _spmm_bn(hp, pk, vals, gamma, beta, W2, b2):
    mesh = plsc.VectorSubcoreMesh(core_axis_name="c", subcore_axis_name="s")
    f = pl.kernel(
        _spmm_bn_body,
        out_type=jax.ShapeDtypeStruct((NW, N_PAD), jnp.float32),
        mesh=mesh,
        compiler_params=pltpu.CompilerParams(needs_layout_passes=False),
        scratch_types=[
            pltpu.VMEM((N_PAD,), jnp.int32),
            pltpu.VMEM((N_PAD,), jnp.float32),
            pltpu.VMEM((N_PAD,), jnp.float32),
            pltpu.VMEM((N_PAD,), jnp.float32),
            pltpu.VMEM((2 * EBLK_A,), jnp.int32),
            pltpu.VMEM((2 * EBLK_A,), jnp.float32),
            pltpu.VMEM((HID,), jnp.float32),
            pltpu.VMEM((HID,), jnp.float32),
            pltpu.VMEM((HID,), jnp.float32),
            pltpu.VMEM((1,), jnp.float32),
            pltpu.SemaphoreType.DMA((2, 4)),
            pltpu.SemaphoreType.DMA((2,)),
        ],
    )
    return f(hp, pk, vals, gamma, beta, W2, b2)


_RNG = N_PAD // NS


def _spmm2_body(yp, pk, vals, out_hbm,
                yv, acc, tmp, ys, pb, vb, ysh, osl, sems, rsem):
    c = lax.axis_index("c")
    s = lax.axis_index("s")
    zero = jnp.zeros((L,), jnp.float32)
    nb = _RNG // L

    def reduce_slots(src, nslots, off):
        @plsc.parallel_loop(0, nb)
        def _(j):
            ys[pl.ds(j * L, L)] = zero

        def start(t):
            toff = jnp.bitwise_and(t, 1) * _RNG
            pltpu.async_copy(src.at[t, pl.ds(off, _RNG)],
                             tmp.at[pl.ds(toff, _RNG)],
                             rsem.at[jnp.bitwise_and(t, 1)])

        def wait(t):
            toff = jnp.bitwise_and(t, 1) * _RNG
            pltpu.make_async_copy(src.at[t, pl.ds(off, _RNG)],
                                  tmp.at[pl.ds(toff, _RNG)],
                                  rsem.at[jnp.bitwise_and(t, 1)]).wait()

        start(0)

        def tb(t, carry):
            @pl.when(t + 1 < nslots)
            def _():
                start(t + 1)
            wait(t)
            toff = jnp.bitwise_and(t, 1) * _RNG

            @plsc.parallel_loop(0, nb, unroll=4)
            def _(j):
                sl = pl.ds(j * L, L)
                ys[sl] = ys[sl] + tmp[pl.ds(toff + j * L, L)]
            return carry
        lax.fori_loop(0, nslots, tb, 0)

    @pl.when(c == 0)
    def _():
        off = pl.multiple_of(s * _RNG, 128)
        reduce_slots(yp, NW, off)
        pltpu.sync_copy(ys, ysh.at[pl.ds(off, _RNG)])
        plsc.subcore_barrier()
        pltpu.sync_copy(ysh, yv)

        @plsc.parallel_loop(0, NVB_PAD)
        def _(j):
            acc[pl.ds(j * L, L)] = zero

        nrounds = (NBLK_B + NS - 1) // NS

        def start_blk(ci, slot):
            _edge_stage_start(pk, vals, pb, vb, sems, ci * NS + s, slot,
                              EBLK_B)

        def wait_blk(ci, slot):
            _edge_stage_wait(pk, vals, pb, vb, sems, ci * NS + s, slot,
                             EBLK_B)

        start_blk(0, 0)

        def chunk_body(ci, carry):
            blk = ci * NS + s
            slot = jnp.bitwise_and(ci, 1)

            @pl.when(blk < NBLK_B)
            def _():
                @pl.when(blk + NS < NBLK_B)
                def _():
                    start_blk(ci + 1, 1 - slot)
                wait_blk(ci, slot)
                boff = slot * EBLK_B

                @plsc.parallel_loop(0, EBLK_B // L, unroll=4)
                def _(k):
                    sl = pl.ds(boff + k * L, L)
                    pkv = pb[sl]
                    g = plsc.load_gather(yv, [jnp.bitwise_and(pkv, _CMASK)])
                    plsc.addupdate_scatter(acc, [pkv >> _CBITS], g * vb[sl])
            return carry
        lax.fori_loop(0, nrounds, chunk_body, 0)

        pltpu.sync_copy(acc, osl.at[s])
        plsc.subcore_barrier()

        reduce_slots(osl, NS, off)
        pltpu.sync_copy(ys, out_hbm.at[pl.ds(off, _RNG)])


def _spmm_scalar(yp, pk, vals):
    mesh = plsc.VectorSubcoreMesh(core_axis_name="c", subcore_axis_name="s")
    f = pl.kernel(
        _spmm2_body,
        out_type=jax.ShapeDtypeStruct((N_PAD,), jnp.float32),
        mesh=mesh,
        compiler_params=pltpu.CompilerParams(needs_layout_passes=False),
        scratch_types=[
            pltpu.VMEM((N_PAD,), jnp.float32),
            pltpu.VMEM((N_PAD,), jnp.float32),
            pltpu.VMEM((2 * _RNG,), jnp.float32),
            pltpu.VMEM((_RNG,), jnp.float32),
            pltpu.VMEM((2 * EBLK_B,), jnp.int32),
            pltpu.VMEM((2 * EBLK_B,), jnp.float32),
            pltpu.VMEM_SHARED((N_PAD,), jnp.float32),
            pltpu.VMEM_SHARED((NS, N_PAD), jnp.float32),
            pltpu.SemaphoreType.DMA((2, 4)),
            pltpu.SemaphoreType.DMA((2,)),
        ],
    )
    return f(yp, pk, vals)


def kernel(x, A_indices, A_values, W1, b1, gamma, beta, W2, b2):
    ai = A_indices.astype(jnp.int32)
    vals = A_values.astype(jnp.float32)
    W1p = jnp.concatenate([W1[0::2], W1[1::2]])
    b1p = jnp.concatenate([b1[0::2], b1[1::2]])
    hp, pk = _dense_packed(x, W1p, b1p, ai)
    yp = _spmm_bn(hp, pk, vals, gamma, beta, W2, b2)
    out = _spmm_scalar(yp, pk, vals)
    return out[:N_NODES]

# --- scband reference (transcript-rebuilt; emitter-appended) ---
"""Pipeline reference for scband-gcn-24644522345230 (READ-ONLY COPY).

The authoritative reference and input builder live on the scoring server;
editing this copy changes nothing except your own understanding.
"""

import jax, jax.numpy as jnp
import numpy as np

N_NODES = 10000
N_EDGES = 160000
IN_DIM = 256
HIDDEN_DIM = 64
OUT_DIM = 1


def setup_inputs(seed: int = 0) -> dict:
    key = jax.random.key(seed)
    k = jax.random.split(key, 10)
    x = jax.random.normal(k[0], (N_NODES, IN_DIM), dtype=jnp.float32)
    A_indices = jax.random.randint(k[1], (2, N_EDGES), 0, N_NODES, dtype=jnp.int64)
    A_values = jax.random.uniform(k[2], (N_EDGES,), dtype=jnp.float32)
    # learned parameters (torch nn.Linear: y = x @ W.T + b)
    W1 = jax.random.normal(k[3], (HIDDEN_DIM, IN_DIM), dtype=jnp.float32) * (1.0 / np.sqrt(IN_DIM))
    b1 = jax.random.normal(k[4], (HIDDEN_DIM,), dtype=jnp.float32) * 0.01
    gamma = jnp.ones((HIDDEN_DIM,), dtype=jnp.float32)
    beta = jnp.zeros((HIDDEN_DIM,), dtype=jnp.float32)
    W2 = jax.random.normal(k[5], (OUT_DIM, HIDDEN_DIM), dtype=jnp.float32) * (1.0 / np.sqrt(HIDDEN_DIM))
    b2 = jax.random.normal(k[6], (OUT_DIM,), dtype=jnp.float32) * 0.01
    return {"x": x, "A_indices": A_indices, "A_values": A_values,
            "W1": W1, "b1": b1, "gamma": gamma, "beta": beta,
            "W2": W2, "b2": b2}


def _spmm(A_indices, A_values, dense, n_rows):
    # sparse (COO) @ dense  == scatter-add of value-weighted gathered rows
    rows = A_indices[0]
    cols = A_indices[1]
    gathered = jnp.take(dense, cols, axis=0) * A_values[:, None]
    return jax.ops.segment_sum(gathered, rows, num_segments=n_rows)


def _batchnorm1d(h, gamma, beta, eps=1e-5):
    # training-mode batch statistics over the node (batch) dimension
    mean = jnp.mean(h, axis=0)
    var = jnp.var(h, axis=0)
    h_hat = (h - mean) / jnp.sqrt(var + eps)
    return gamma * h_hat + beta


def reference(x, A_indices, A_values, W1, b1, gamma, beta, W2, b2):
    n = x.shape[0]
    h1 = _spmm(A_indices, A_values, x @ W1.T + b1, n)
    h1 = _batchnorm1d(h1, gamma, beta)
    h1 = jax.nn.relu(h1)
    # dropout is identity in eval / deterministic reference
    out = _spmm(A_indices, A_values, h1 @ W2.T + b2, n)
    out = jnp.squeeze(out, axis=-1)
    return out

if __name__ == "__main__":
    import jax
    _d = setup_inputs()
    print(jax.jit(kernel)(*tuple(_d.values())))

</pallas_src>

<mosaic_0001>
#map = affine_map<(d0, d1) -> (0, 0)>
#map1 = affine_map<(d0, d1) -> (0, 0, 0)>
#map2 = affine_map<(d0, d1) -> (0)>
module attributes {stable_mosaic.version = 14 : i64} {
  func.func @_spmm_bn_body(%arg0: i32, %arg1: i32, %arg2: memref<32x10240xi32, #tpu.memory_space<hbm>>, %arg3: memref<5x1x32000xi32, #tpu.memory_space<hbm>>, %arg4: memref<160000xf32, #tpu.memory_space<hbm>>, %arg5: memref<64xf32, #tpu.memory_space<hbm>>, %arg6: memref<64xf32, #tpu.memory_space<hbm>>, %arg7: memref<1x64xf32, #tpu.memory_space<hbm>>, %arg8: memref<1xf32, #tpu.memory_space<hbm>>, %arg9: memref<32x10240xf32, #tpu.memory_space<hbm>>, %arg10: memref<10240xi32, #tpu.memory_space<vmem>>, %arg11: memref<10240xf32, #tpu.memory_space<vmem>>, %arg12: memref<10240xf32, #tpu.memory_space<vmem>>, %arg13: memref<10240xf32, #tpu.memory_space<vmem>>, %arg14: memref<32000xi32, #tpu.memory_space<vmem>>, %arg15: memref<32000xf32, #tpu.memory_space<vmem>>, %arg16: memref<64xf32, #tpu.memory_space<vmem>>, %arg17: memref<64xf32, #tpu.memory_space<vmem>>, %arg18: memref<64xf32, #tpu.memory_space<vmem>>, %arg19: memref<1xf32, #tpu.memory_space<vmem>>, %arg20: memref<2x4x!tpu.dma_semaphore, #tpu.memory_space<semaphore_mem>>, %arg21: memref<2x!tpu.dma_semaphore, #tpu.memory_space<semaphore_mem>>) attributes {dimension_semantics = [#tpu.dimension_semantics<core_parallel>, #tpu.dimension_semantics<subcore_parallel>], iteration_bounds = array<i64: 2, 16>, scalar_prefetch = 0 : i64, scratch_operands = 12 : i64, tpu.core_type = #tpu.core_type<sc_vector_subcore>, window_params = [{transform_indices = #map}, {transform_indices = #map1}, {transform_indices = #map2}, {transform_indices = #map2}, {transform_indices = #map2}, {transform_indices = #map}, {transform_indices = #map2}, {transform_indices = #map}]} {
    %mul3A = arith.constant 2 : i32
    %mul3A_0 = arith.muli %arg1, %mul3A : i32
    %add3A = arith.addi %mul3A_0, %arg0 : i32
    %mul3A_1 = arith.constant 2 : i32
    %mul3A_2 = arith.muli %add3A, %mul3A_1 : i32
    %dma_start3A = arith.constant 0 : i32
    %dma_start3A_3 = arith.constant 0 : i32
    %dma_start3A_4 = tpu.memref_slice %arg10[%dma_start3A_3] : memref<10240xi32, #tpu.memory_space<vmem>> -> memref<5120xi32, #tpu.memory_space<vmem>>
    %dma_start3A_5 = arith.constant 0 : i32
    %dma_start3A_6 = tpu.memref_slice %arg2[%add3A, %dma_start3A_5] : memref<32x10240xi32, #tpu.memory_space<hbm>> -> memref<1x5120xi32, #tpu.memory_space<hbm>>
    %dma_start3A_7 = tpu.memref_squeeze %dma_start3A_6 : memref<1x5120xi32, #tpu.memory_space<hbm>> -> memref<5120xi32, #tpu.memory_space<hbm>>
    %dma_start3A_8 = tpu.memref_slice %arg21[%dma_start3A] : memref<2x!tpu.dma_semaphore, #tpu.memory_space<semaphore_mem>> -> memref<1x!tpu.dma_semaphore, #tpu.memory_space<semaphore_mem>>
    %dma_start3A_9 = tpu.memref_squeeze %dma_start3A_8 : memref<1x!tpu.dma_semaphore, #tpu.memory_space<semaphore_mem>> -> memref<!tpu.dma_semaphore, #tpu.memory_space<semaphore_mem>>
    %dma_start3A_10 = arith.constant 0 : i32
    %dma_start3A_11 = tpu.memref_slice %arg10[%dma_start3A_10] : memref<10240xi32, #tpu.memory_space<vmem>> -> memref<5120xi32, #tpu.memory_space<vmem>>
    %dma_start3A_12 = arith.constant 0 : i32
    %dma_start3A_13 = tpu.memref_slice %arg2[%add3A, %dma_start3A_12] : memref<32x10240xi32, #tpu.memory_space<hbm>> -> memref<1x5120xi32, #tpu.memory_space<hbm>>
    %dma_start3A_14 = tpu.memref_squeeze %dma_start3A_13 : memref<1x5120xi32, #tpu.memory_space<hbm>> -> memref<5120xi32, #tpu.memory_space<hbm>>
    tpu.enqueue_dma source(%dma_start3A_14 : memref<5120xi32, #tpu.memory_space<hbm>>) target(%dma_start3A_11 : memref<5120xi32, #tpu.memory_space<vmem>>) target_semaphore(%dma_start3A_9 : memref<!tpu.dma_semaphore, #tpu.memory_space<semaphore_mem>>)
    %dma_start3A_15 = arith.constant 1 : i32
    %dma_start3A_16 = arith.constant 5120 : i32
    %dma_start3A_17 = tpu.memref_slice %arg10[%dma_start3A_16] : memref<10240xi32, #tpu.memory_space<vmem>> -> memref<5120xi32, #tpu.memory_space<vmem>>
    %dma_start3A_18 = arith.constant 5120 : i32
    %dma_start3A_19 = tpu.memref_slice %arg2[%add3A, %dma_start3A_18] : memref<32x10240xi32, #tpu.memory_space<hbm>> -> memref<1x5120xi32, #tpu.memory_space<hbm>>
    %dma_start3A_20 = tpu.memref_squeeze %dma_start3A_19 : memref<1x5120xi32, #tpu.memory_space<hbm>> -> memref<5120xi32, #tpu.memory_space<hbm>>
    %dma_start3A_21 = tpu.memref_slice %arg21[%dma_start3A_15] : memref<2x!tpu.dma_semaphore, #tpu.memory_space<semaphore_mem>> -> memref<1x!tpu.dma_semaphore, #tpu.memory_space<semaphore_mem>>
    %dma_start3A_22 = tpu.memref_squeeze %dma_start3A_21 : memref<1x!tpu.dma_semaphore, #tpu.memory_space<semaphore_mem>> -> memref<!tpu.dma_semaphore, #tpu.memory_space<semaphore_mem>>
    %dma_start3A_23 = arith.constant 5120 : i32
    %dma_start3A_24 = tpu.memref_slice %arg10[%dma_start3A_23] : memref<10240xi32, #tpu.memory_space<vmem>> -> memref<5120xi32, #tpu.memory_space<vmem>>
    %dma_start3A_25 = arith.constant 5120 : i32
    %dma_start3A_26 = tpu.memref_slice %arg2[%add3A, %dma_start3A_25] : memref<32x10240xi32, #tpu.memory_space<hbm>> -> memref<1x5120xi32, #tpu.memory_space<hbm>>
    %dma_start3A_27 = tpu.memref_squeeze %dma_start3A_26 : memref<1x5120xi32, #tpu.memory_space<hbm>> -> memref<5120xi32, #tpu.memory_space<hbm>>
    tpu.enqueue_dma source(%dma_start3A_27 : memref<5120xi32, #tpu.memory_space<hbm>>) target(%dma_start3A_24 : memref<5120xi32, #tpu.memory_space<vmem>>) target_semaphore(%dma_start3A_22 : memref<!tpu.dma_semaphore, #tpu.memory_space<semaphore_mem>>)
    %add3A_28 = arith.constant 0 : i32
    %add3A_29 = arith.addi %add3A_28, %add3A : i32
    %rem3A = arith.constant 10 : i32
    %rem3A_30 = arith.remsi %add3A_29, %rem3A : i32
    %jit3A = arith.constant 2 : i32
    %div3A = arith.divsi %rem3A_30, %jit3A : i32
    %sign3A = arith.constant 0 : i32
    %sign3A_31 = arith.cmpi sgt, %rem3A_30, %sign3A : i32
    %sign3A_32 = arith.extui %sign3A_31 : i1 to i32
    %sign3A_33 = arith.constant 0 : i32
    %sign3A_34 = arith.cmpi slt, %rem3A_30, %sign3A_33 : i32
    %sign3A_35 = arith.extui %sign3A_34 : i1 to i32
    %sign3A_36 = arith.subi %sign3A_32, %sign3A_35 : i32
    %sign3A_37 = arith.constant 0 : i32
    %sign3A_38 = arith.cmpi sgt, %jit3A, %sign3A_37 : i32
    %sign3A_39 = arith.extui %sign3A_38 : i1 to i32
    %sign3A_40 = arith.constant 0 : i32
    %sign3A_41 = arith.cmpi slt, %jit3A, %sign3A_40 : i32
    %sign3A_42 = arith.extui %sign3A_41 : i1 to i32
    %sign3A_43 = arith.subi %sign3A_39, %sign3A_42 : i32
    %ne3A = arith.cmpi ne, %sign3A_36, %sign3A_43 : i32
    %rem3A_44 = arith.remsi %rem3A_30, %jit3A : i32
    %ne3A_45 = arith.constant 0 : i32
    %ne3A_46 = arith.cmpi ne, %rem3A_44, %ne3A_45 : i32
    %and3A = arith.andi %ne3A, %ne3A_46 : i1
    %sub3A = arith.constant 1 : i32
    %sub3A_47 = arith.subi %div3A, %sub3A : i32
    %select_n3A = arith.select %and3A, %sub3A_47, %div3A : i32
    %rem3A_48 = arith.constant 2 : i32
    %rem3A_49 = arith.remsi %rem3A_30, %rem3A_48 : i32
    %mul3A_50 = arith.constant 16000 : i32
    %mul3A_51 = arith.muli %rem3A_49, %mul3A_50 : i32
    %multiple_of3A = tpu.assume_multiple %mul3A_51, 128 : i32
    %mul3A_52 = arith.constant 16000 : i32
    %mul3A_53 = arith.muli %rem3A_30, %mul3A_52 : i32
    %multiple_of3A_54 = tpu.assume_multiple %mul3A_53, 128 : i32
    %dma_start3A_55 = arith.constant 0 : i32
    %dma_start3A_56 = arith.constant 0 : i32
    %dma_start3A_57 = arith.constant 0 : i32
    %dma_start3A_58 = arith.constant 0 : i32
    %dma_start3A_59 = tpu.memref_slice %arg14[%dma_start3A_58] : memref<32000xi32, #tpu.memory_space<vmem>> -> memref<16000xi32, #tpu.memory_space<vmem>>
    %dma_start3A_60 = tpu.memref_slice %arg3[%select_n3A, %dma_start3A_55, %multiple_of3A] : memref<5x1x32000xi32, #tpu.memory_space<hbm>> -> memref<1x1x16000xi32, #tpu.memory_space<hbm>>
    %dma_start3A_61 = tpu.memref_squeeze %dma_start3A_60 : memref<1x1x16000xi32, #tpu.memory_space<hbm>> -> memref<16000xi32, #tpu.memory_space<hbm>>
    %dma_start3A_62 = tpu.memref_slice %arg20[%dma_start3A_56, %dma_start3A_57] : memref<2x4x!tpu.dma_semaphore, #tpu.memory_space<semaphore_mem>> -> memref<1x1x!tpu.dma_semaphore, #tpu.memory_space<semaphore_mem>>
    %dma_start3A_63 = tpu.memref_squeeze %dma_start3A_62 : memref<1x1x!tpu.dma_semaphore, #tpu.memory_space<semaphore_mem>> -> memref<!tpu.dma_semaphore, #tpu.memory_space<semaphore_mem>>
    %dma_start3A_64 = arith.constant 0 : i32
    %dma_start3A_65 = tpu.memref_slice %arg14[%dma_start3A_64] : memref<32000xi32, #tpu.memory_space<vmem>> -> memref<16000xi32, #tpu.memory_space<vmem>>
    %dma_start3A_66 = tpu.memref_slice %arg3[%select_n3A, %dma_start3A_55, %multiple_of3A] : memref<5x1x32000xi32, #tpu.memory_space<hbm>> -> memref<1x1x16000xi32, #tpu.memory_space<hbm>>
    %dma_start3A_67 = tpu.memref_squeeze %dma_start3A_66 : memref<1x1x16000xi32, #tpu.memory_space<hbm>> -> memref<16000xi32, #tpu.memory_space<hbm>>
    tpu.enqueue_dma source(%dma_start3A_67 : memref<16000xi32, #tpu.memory_space<hbm>>) target(%dma_start3A_65 : memref<16000xi32, #tpu.memory_space<vmem>>) target_semaphore(%dma_start3A_63 : memref<!tpu.dma_semaphore, #tpu.memory_space<semaphore_mem>>)
    %dma_start3A_68 = arith.constant 0 : i32
    %dma_start3A_69 = arith.constant 1 : i32
    %dma_start3A_70 = arith.constant 0 : i32
    %dma_start3A_71 = tpu.memref_slice %arg15[%dma_start3A_70] : memref<32000xf32, #tpu.memory_space<vmem>> -> memref<16000xf32, #tpu.memory_space<vmem>>
    %dma_start3A_72 = tpu.memref_slice %arg4[%multiple_of3A_54] : memref<160000xf32, #tpu.memory_space<hbm>> -> memref<16000xf32, #tpu.memory_space<hbm>>
    %dma_start3A_73 = tpu.memref_slice %arg20[%dma_start3A_68, %dma_start3A_69] : memref<2x4x!tpu.dma_semaphore, #tpu.memory_space<semaphore_mem>> -> memref<1x1x!tpu.dma_semaphore, #tpu.memory_space<semaphore_mem>>
    %dma_start3A_74 = tpu.memref_squeeze %dma_start3A_73 : memref<1x1x!tpu.dma_semaphore, #tpu.memory_space<semaphore_mem>> -> memref<!tpu.dma_semaphore, #tpu.memory_space<semaphore_mem>>
    %dma_start3A_75 = arith.constant 0 : i32
    %dma_start3A_76 = tpu.memref_slice %arg15[%dma_start3A_75] : memref<32000xf32, #tpu.memory_space<vmem>> -> memref<16000xf32, #tpu.memory_space<vmem>>
    %dma_start3A_77 = tpu.memref_slice %arg4[%multiple_of3A_54] : memref<160000xf32, #tpu.memory_space<hbm>> -> memref<16000xf32, #tpu.memory_space<hbm>>
    tpu.enqueue_dma source(%dma_start3A_77 : memref<16000xf32, #tpu.memory_space<hbm>>) target(%dma_start3A_76 : memref<16000xf32, #tpu.memory_space<vmem>>) target_semaphore(%dma_start3A_74 : memref<!tpu.dma_semaphore, #tpu.memory_space<semaphore_mem>>)
    "tpu.region"() ({
      %run_scoped3A_255 = tpu.sem_alloc : memref<!tpu.dma_semaphore, #tpu.memory_space<semaphore_mem>>
      tpu.enqueue_dma source(%arg5 : memref<64xf32, #tpu.memory_space<hbm>>) target(%arg16 : memref<64xf32, #tpu.memory_space<vmem>>) target_semaphore(%run_scoped3A_255 : memref<!tpu.dma_semaphore, #tpu.memory_space<semaphore_mem>>)
      tpu.wait_dma2 semaphore(%run_scoped3A_255 : memref<!tpu.dma_semaphore, #tpu.memory_space<semaphore_mem>>) src(%arg5 : memref<64xf32, #tpu.memory_space<hbm>>) dst(%arg16 : memref<64xf32, #tpu.memory_space<vmem>>)
      tpu.yield
    }) : () -> ()
    "tpu.region"() ({
      %run_scoped3A_255 = tpu.sem_alloc : memref<!tpu.dma_semaphore, #tpu.memory_space<semaphore_mem>>
      tpu.enqueue_dma source(%arg6 : memref<64xf32, #tpu.memory_space<hbm>>) target(%arg17 : memref<64xf32, #tpu.memory_space<vmem>>) target_semaphore(%run_scoped3A_255 : memref<!tpu.dma_semaphore, #tpu.memory_space<semaphore_mem>>)
      tpu.wait_dma2 semaphore(%run_scoped3A_255 : memref<!tpu.dma_semaphore, #tpu.memory_space<semaphore_mem>>) src(%arg6 : memref<64xf32, #tpu.memory_space<hbm>>) dst(%arg17 : memref<64xf32, #tpu.memory_space<vmem>>)
      tpu.yield
    }) : () -> ()
    %run_scoped3A = arith.constant 0 : i32
    "tpu.region"() ({
      %run_scoped3A_255 = tpu.sem_alloc : memref<!tpu.dma_semaphore, #tpu.memory_space<semaphore_mem>>
      %dma_start3A_256 = arith.constant 0 : i32
      %dma_start3A_257 = tpu.memref_slice %arg7[%run_scoped3A, %dma_start3A_256] : memref<1x64xf32, #tpu.memory_space<hbm>> -> memref<1x64xf32, #tpu.memory_space<hbm>>
      %dma_start3A_258 = tpu.memref_squeeze %dma_start3A_257 : memref<1x64xf32, #tpu.memory_space<hbm>> -> memref<64xf32, #tpu.memory_space<hbm>>
      %dma_start3A_259 = arith.constant 0 : i32
      %dma_start3A_260 = tpu.memref_slice %arg7[%run_scoped3A, %dma_start3A_259] : memref<1x64xf32, #tpu.memory_space<hbm>> -> memref<1x64xf32, #tpu.memory_space<hbm>>
      %dma_start3A_261 = tpu.memref_squeeze %dma_start3A_260 : memref<1x64xf32, #tpu.memory_space<hbm>> -> memref<64xf32, #tpu.memory_space<hbm>>
      tpu.enqueue_dma source(%dma_start3A_261 : memref<64xf32, #tpu.memory_space<hbm>>) target(%arg18 : memref<64xf32, #tpu.memory_space<vmem>>) target_semaphore(%run_scoped3A_255 : memref<!tpu.dma_semaphore, #tpu.memory_space<semaphore_mem>>)
      %dma_wait3A_262 = arith.constant 0 : i32
      %dma_wait3A_263 = tpu.memref_slice %arg7[%run_scoped3A, %dma_wait3A_262] : memref<1x64xf32, #tpu.memory_space<hbm>> -> memref<1x64xf32, #tpu.memory_space<hbm>>
      %dma_wait3A_264 = tpu.memref_squeeze %dma_wait3A_263 : memref<1x64xf32, #tpu.memory_space<hbm>> -> memref<64xf32, #tpu.memory_space<hbm>>
      %dma_wait3A_265 = arith.constant 0 : i32
      %dma_wait3A_266 = tpu.memref_slice %arg7[%run_scoped3A, %dma_wait3A_265] : memref<1x64xf32, #tpu.memory_space<hbm>> -> memref<1x64xf32, #tpu.memory_space<hbm>>
      %dma_wait3A_267 = tpu.memref_squeeze %dma_wait3A_266 : memref<1x64xf32, #tpu.memory_space<hbm>> -> memref<64xf32, #tpu.memory_space<hbm>>
      tpu.wait_dma2 semaphore(%run_scoped3A_255 : memref<!tpu.dma_semaphore, #tpu.memory_space<semaphore_mem>>) src(%dma_wait3A_267 : memref<64xf32, #tpu.memory_space<hbm>>) dst(%arg18 : memref<64xf32, #tpu.memory_space<vmem>>)
      tpu.yield
    }) : () -> ()
    "tpu.region"() ({
      %run_scoped3A_255 = tpu.sem_alloc : memref<!tpu.dma_semaphore, #tpu.memory_space<semaphore_mem>>
      tpu.enqueue_dma source(%arg8 : memref<1xf32, #tpu.memory_space<hbm>>) target(%arg19 : memref<1xf32, #tpu.memory_space<vmem>>) target_semaphore(%run_scoped3A_255 : memref<!tpu.dma_semaphore, #tpu.memory_space<semaphore_mem>>)
      tpu.wait_dma2 semaphore(%run_scoped3A_255 : memref<!tpu.dma_semaphore, #tpu.memory_space<semaphore_mem>>) src(%arg8 : memref<1xf32, #tpu.memory_space<hbm>>) dst(%arg19 : memref<1xf32, #tpu.memory_space<vmem>>)
      tpu.yield
    }) : () -> ()
    %broadcast_in_dim3A = arith.constant 0.000000e+00 : f32
    %broadcast_in_dim3A_78 = vector.broadcast %broadcast_in_dim3A : f32 to vector<16xf32>
    %parallel_loop3A = arith.constant 0 : i32
    %parallel_loop3A_79 = arith.constant 640 : i32
    %parallel_loop3A_80 = arith.constant 1 : i32
    scf.for %parallel_loop3A_255 = %parallel_loop3A to %parallel_loop3A_79 step %parallel_loop3A_80  : i32 {
      %parallel_loop3A_256 = arith.constant 16 : i32
      %parallel_loop3A_257 = arith.muli %parallel_loop3A_255, %parallel_loop3A_256 : i32
      %parallel_loop3A_258 = arith.index_cast %parallel_loop3A_257 : i32 to index
      %parallel_loop3A_259 = tpu.vector_load %arg11[%parallel_loop3A_258] {strides = array<i32>} : memref<10240xf32, #tpu.memory_space<vmem>>, vector<16xf32>,
      tpu.vector_store %arg11[%parallel_loop3A_258], %broadcast_in_dim3A_78 {strides = array<i32>} : memref<10240xf32, #tpu.memory_space<vmem>>, vector<16xf32>,
      %parallel_loop3A_260 = arith.index_cast %parallel_loop3A_257 : i32 to index
      %parallel_loop3A_261 = tpu.vector_load %arg12[%parallel_loop3A_260] {strides = array<i32>} : memref<10240xf32, #tpu.memory_space<vmem>>, vector<16xf32>,
      tpu.vector_store %arg12[%parallel_loop3A_260], %broadcast_in_dim3A_78 {strides = array<i32>} : memref<10240xf32, #tpu.memory_space<vmem>>, vector<16xf32>,
      %parallel_loop3A_262 = arith.index_cast %parallel_loop3A_257 : i32 to index
      %parallel_loop3A_263 = tpu.vector_load %arg13[%parallel_loop3A_262] {strides = array<i32>} : memref<10240xf32, #tpu.memory_space<vmem>>, vector<16xf32>,
      tpu.vector_store %arg13[%parallel_loop3A_262], %broadcast_in_dim3A_78 {strides = array<i32>} : memref<10240xf32, #tpu.memory_space<vmem>>, vector<16xf32>,
    } {sc.loop_unroll_factor = 1 : i64, sc.parallel_access}
    %dma_wait3A = arith.constant 0 : i32
    %dma_wait3A_81 = arith.constant 0 : i32
    %dma_wait3A_82 = tpu.memref_slice %arg10[%dma_wait3A_81] : memref<10240xi32, #tpu.memory_space<vmem>> -> memref<5120xi32, #tpu.memory_space<vmem>>
    %dma_wait3A_83 = arith.constant 0 : i32
    %dma_wait3A_84 = tpu.memref_slice %arg2[%add3A, %dma_wait3A_83] : memref<32x10240xi32, #tpu.memory_space<hbm>> -> memref<1x5120xi32, #tpu.memory_space<hbm>>
    %dma_wait3A_85 = tpu.memref_squeeze %dma_wait3A_84 : memref<1x5120xi32, #tpu.memory_space<hbm>> -> memref<5120xi32, #tpu.memory_space<hbm>>
    %dma_wait3A_86 = tpu.memref_slice %arg21[%dma_wait3A] : memref<2x!tpu.dma_semaphore, #tpu.memory_space<semaphore_mem>> -> memref<1x!tpu.dma_semaphore, #tpu.memory_space<semaphore_mem>>
    %dma_wait3A_87 = tpu.memref_squeeze %dma_wait3A_86 : memref<1x!tpu.dma_semaphore, #tpu.memory_space<semaphore_mem>> -> memref<!tpu.dma_semaphore, #tpu.memory_space<semaphore_mem>>
    %dma_wait3A_88 = arith.constant 0 : i32
    %dma_wait3A_89 = tpu.memref_slice %arg10[%dma_wait3A_88] : memref<10240xi32, #tpu.memory_space<vmem>> -> memref<5120xi32, #tpu.memory_space<vmem>>
    %dma_wait3A_90 = arith.constant 0 : i32
    %dma_wait3A_91 = tpu.memref_slice %arg2[%add3A, %dma_wait3A_90] : memref<32x10240xi32, #tpu.memory_space<hbm>> -> memref<1x5120xi32, #tpu.memory_space<hbm>>
    %dma_wait3A_92 = tpu.memref_squeeze %dma_wait3A_91 : memref<1x5120xi32, #tpu.memory_space<hbm>> -> memref<5120xi32, #tpu.memory_space<hbm>>
    tpu.wait_dma2 semaphore(%dma_wait3A_87 : memref<!tpu.dma_semaphore, #tpu.memory_space<semaphore_mem>>) src(%dma_wait3A_92 : memref<5120xi32, #tpu.memory_space<hbm>>) dst(%dma_wait3A_89 : memref<5120xi32, #tpu.memory_space<vmem>>)
    %dma_wait3A_93 = arith.constant 1 : i32
    %dma_wait3A_94 = arith.constant 5120 : i32
    %dma_wait3A_95 = tpu.memref_slice %arg10[%dma_wait3A_94] : memref<10240xi32, #tpu.memory_space<vmem>> -> memref<5120xi32, #tpu.memory_space<vmem>>
    %dma_wait3A_96 = arith.constant 5120 : i32
    %dma_wait3A_97 = tpu.memref_slice %arg2[%add3A, %dma_wait3A_96] : memref<32x10240xi32, #tpu.memory_space<hbm>> -> memref<1x5120xi32, #tpu.memory_space<hbm>>
    %dma_wait3A_98 = tpu.memref_squeeze %dma_wait3A_97 : memref<1x5120xi32, #tpu.memory_space<hbm>> -> memref<5120xi32, #tpu.memory_space<hbm>>
    %dma_wait3A_99 = tpu.memref_slice %arg21[%dma_wait3A_93] : memref<2x!tpu.dma_semaphore, #tpu.memory_space<semaphore_mem>> -> memref<1x!tpu.dma_semaphore, #tpu.memory_space<semaphore_mem>>
    %dma_wait3A_100 = tpu.memref_squeeze %dma_wait3A_99 : memref<1x!tpu.dma_semaphore, #tpu.memory_space<semaphore_mem>> -> memref<!tpu.dma_semaphore, #tpu.memory_space<semaphore_mem>>
    %dma_wait3A_101 = arith.constant 5120 : i32
    %dma_wait3A_102 = tpu.memref_slice %arg10[%dma_wait3A_101] : memref<10240xi32, #tpu.memory_space<vmem>> -> memref<5120xi32, #tpu.memory_space<vmem>>
    %dma_wait3A_103 = arith.constant 5120 : i32
    %dma_wait3A_104 = tpu.memref_slice %arg2[%add3A, %dma_wait3A_103] : memref<32x10240xi32, #tpu.memory_space<hbm>> -> memref<1x5120xi32, #tpu.memory_space<hbm>>
    %dma_wait3A_105 = tpu.memref_squeeze %dma_wait3A_104 : memref<1x5120xi32, #tpu.memory_space<hbm>> -> memref<5120xi32, #tpu.memory_space<hbm>>
    tpu.wait_dma2 semaphore(%dma_wait3A_100 : memref<!tpu.dma_semaphore, #tpu.memory_space<semaphore_mem>>) src(%dma_wait3A_105 : memref<5120xi32, #tpu.memory_space<hbm>>) dst(%dma_wait3A_102 : memref<5120xi32, #tpu.memory_space<vmem>>)
    %scan3A = arith.constant 0 : i32
    %scan3A_106 = arith.constant 0 : i32
    %scan3A_107 = arith.constant 10 : i32
    %scan3A_108 = arith.addi %scan3A_106, %scan3A_107 : i32
    %scan3A_109 = arith.constant 1 : i32
    scf.for %scan3A_255 = %scan3A_106 to %scan3A_108 step %scan3A_109  : i32 {
      %and3A_256 = arith.constant 1 : i32
      %and3A_257 = arith.andi %scan3A_255, %and3A_256 : i32
      %add3A_258 = arith.constant 1 : i32
      %add3A_259 = arith.addi %scan3A_255, %add3A_258 : i32
      %lt3A = arith.constant 10 : i32
      %lt3A_260 = arith.cmpi slt, %add3A_259, %lt3A : i32
      %convert_element_type3A = arith.extui %lt3A_260 : i1 to i32
      %cond3A = arith.constant 0 : i32
      %cond3A_261 = arith.cmpi ne, %convert_element_type3A, %cond3A : i32
      scf.if %cond3A_261 {
        %add3A_321 = arith.constant 1 : i32
        %add3A_322 = arith.addi %scan3A_255, %add3A_321 : i32
        %add3A_323 = arith.addi %add3A_322, %add3A : i32
        %rem3A_324 = arith.constant 10 : i32
        %rem3A_325 = arith.remsi %add3A_323, %rem3A_324 : i32
        %sub3A_326 = arith.constant 1 : i32
        %sub3A_327 = arith.subi %sub3A_326, %and3A_257 : i32
        %mul3A_328 = arith.constant 16000 : i32
        %mul3A_329 = arith.muli %sub3A_327, %mul3A_328 : i32
        %jit3A_330 = arith.constant 2 : i32
        %div3A_331 = arith.divsi %rem3A_325, %jit3A_330 : i32
        %sign3A_332 = arith.constant 0 : i32
        %sign3A_333 = arith.cmpi sgt, %rem3A_325, %sign3A_332 : i32
        %sign3A_334 = arith.extui %sign3A_333 : i1 to i32
        %sign3A_335 = arith.constant 0 : i32
        %sign3A_336 = arith.cmpi slt, %rem3A_325, %sign3A_335 : i32
        %sign3A_337 = arith.extui %sign3A_336 : i1 to i32
        %sign3A_338 = arith.subi %sign3A_334, %sign3A_337 : i32
        %sign3A_339 = arith.constant 0 : i32
        %sign3A_340 = arith.cmpi sgt, %jit3A_330, %sign3A_339 : i32
        %sign3A_341 = arith.extui %sign3A_340 : i1 to i32
        %sign3A_342 = arith.constant 0 : i32
        %sign3A_343 = arith.cmpi slt, %jit3A_330, %sign3A_342 : i32
        %sign3A_344 = arith.extui %sign3A_343 : i1 to i32
        %sign3A_345 = arith.subi %sign3A_341, %sign3A_344 : i32
        %ne3A_346 = arith.cmpi ne, %sign3A_338, %sign3A_345 : i32
        %rem3A_347 = arith.remsi %rem3A_325, %jit3A_330 : i32
        %ne3A_348 = arith.constant 0 : i32
        %ne3A_349 = arith.cmpi ne, %rem3A_347, %ne3A_348 : i32
        %and3A_350 = arith.andi %ne3A_346, %ne3A_349 : i1
        %sub3A_351 = arith.constant 1 : i32
        %sub3A_352 = arith.subi %div3A_331, %sub3A_351 : i32
        %select_n3A_353 = arith.select %and3A_350, %sub3A_352, %div3A_331 : i32
        %rem3A_354 = arith.constant 2 : i32
        %rem3A_355 = arith.remsi %rem3A_325, %rem3A_354 : i32
        %mul3A_356 = arith.constant 16000 : i32
        %mul3A_357 = arith.muli %rem3A_355, %mul3A_356 : i32
        %multiple_of3A_358 = tpu.assume_multiple %mul3A_357, 128 : i32
        %mul3A_359 = arith.constant 16000 : i32
        %mul3A_360 = arith.muli %rem3A_325, %mul3A_359 : i32
        %multiple_of3A_361 = tpu.assume_multiple %mul3A_360, 128 : i32
        %dma_start3A_362 = arith.constant 0 : i32
        %dma_start3A_363 = arith.constant 0 : i32
        %dma_start3A_364 = tpu.memref_slice %arg14[%mul3A_329] : memref<32000xi32, #tpu.memory_space<vmem>> -> memref<16000xi32, #tpu.memory_space<vmem>>
        %dma_start3A_365 = tpu.memref_slice %arg3[%select_n3A_353, %dma_start3A_362, %multiple_of3A_358] : memref<5x1x32000xi32, #tpu.memory_space<hbm>> -> memref<1x1x16000xi32, #tpu.memory_space<hbm>>
        %dma_start3A_366 = tpu.memref_squeeze %dma_start3A_365 : memref<1x1x16000xi32, #tpu.memory_space<hbm>> -> memref<16000xi32, #tpu.memory_space<hbm>>
        %dma_start3A_367 = tpu.memref_slice %arg20[%sub3A_327, %dma_start3A_363] : memref<2x4x!tpu.dma_semaphore, #tpu.memory_space<semaphore_mem>> -> memref<1x1x!tpu.dma_semaphore, #tpu.memory_space<semaphore_mem>>
        %dma_start3A_368 = tpu.memref_squeeze %dma_start3A_367 : memref<1x1x!tpu.dma_semaphore, #tpu.memory_space<semaphore_mem>> -> memref<!tpu.dma_semaphore, #tpu.memory_space<semaphore_mem>>
        %dma_start3A_369 = tpu.memref_slice %arg14[%mul3A_329] : memref<32000xi32, #tpu.memory_space<vmem>> -> memref<16000xi32, #tpu.memory_space<vmem>>
        %dma_start3A_370 = tpu.memref_slice %arg3[%select_n3A_353, %dma_start3A_362, %multiple_of3A_358] : memref<5x1x32000xi32, #tpu.memory_space<hbm>> -> memref<1x1x16000xi32, #tpu.memory_space<hbm>>
        %dma_start3A_371 = tpu.memref_squeeze %dma_start3A_370 : memref<1x1x16000xi32, #tpu.memory_space<hbm>> -> memref<16000xi32, #tpu.memory_space<hbm>>
        tpu.enqueue_dma source(%dma_start3A_371 : memref<16000xi32, #tpu.memory_space<hbm>>) target(%dma_start3A_369 : memref<16000xi32, #tpu.memory_space<vmem>>) target_semaphore(%dma_start3A_368 : memref<!tpu.dma_semaphore, #tpu.memory_space<semaphore_mem>>)
        %dma_start3A_372 = arith.constant 1 : i32
        %dma_start3A_373 = tpu.memref_slice %arg15[%mul3A_329] : memref<32000xf32, #tpu.memory_space<vmem>> -> memref<16000xf32, #tpu.memory_space<vmem>>
        %dma_start3A_374 = tpu.memref_slice %arg4[%multiple_of3A_361] : memref<160000xf32, #tpu.memory_space<hbm>> -> memref<16000xf32, #tpu.memory_space<hbm>>
        %dma_start3A_375 = tpu.memref_slice %arg20[%sub3A_327, %dma_start3A_372] : memref<2x4x!tpu.dma_semaphore, #tpu.memory_space<semaphore_mem>> -> memref<1x1x!tpu.dma_semaphore, #tpu.memory_space<semaphore_mem>>
        %dma_start3A_376 = tpu.memref_squeeze %dma_start3A_375 : memref<1x1x!tpu.dma_semaphore, #tpu.memory_space<semaphore_mem>> -> memref<!tpu.dma_semaphore, #tpu.memory_space<semaphore_mem>>
        %dma_start3A_377 = tpu.memref_slice %arg15[%mul3A_329] : memref<32000xf32, #tpu.memory_space<vmem>> -> memref<16000xf32, #tpu.memory_space<vmem>>
        %dma_start3A_378 = tpu.memref_slice %arg4[%multiple_of3A_361] : memref<160000xf32, #tpu.memory_space<hbm>> -> memref<16000xf32, #tpu.memory_space<hbm>>
        tpu.enqueue_dma source(%dma_start3A_378 : memref<16000xf32, #tpu.memory_space<hbm>>) target(%dma_start3A_377 : memref<16000xf32, #tpu.memory_space<vmem>>) target_semaphore(%dma_start3A_376 : memref<!tpu.dma_semaphore, #tpu.memory_space<semaphore_mem>>)
      } else {
      }
      %add3A_262 = arith.addi %scan3A_255, %add3A : i32
      %rem3A_263 = arith.constant 10 : i32
      %rem3A_264 = arith.remsi %add3A_262, %rem3A_263 : i32
      %mul3A_265 = arith.constant 16000 : i32
      %mul3A_266 = arith.muli %and3A_257, %mul3A_265 : i32
      %jit3A_267 = arith.constant 2 : i32
      %div3A_268 = arith.divsi %rem3A_264, %jit3A_267 : i32
      %sign3A_269 = arith.constant 0 : i32
      %sign3A_270 = arith.cmpi sgt, %rem3A_264, %sign3A_269 : i32
      %sign3A_271 = arith.extui %sign3A_270 : i1 to i32
      %sign3A_272 = arith.constant 0 : i32
      %sign3A_273 = arith.cmpi slt, %rem3A_264, %sign3A_272 : i32
      %sign3A_274 = arith.extui %sign3A_273 : i1 to i32
      %sign3A_275 = arith.subi %sign3A_271, %sign3A_274 : i32
      %sign3A_276 = arith.constant 0 : i32
      %sign3A_277 = arith.cmpi sgt, %jit3A_267, %sign3A_276 : i32
      %sign3A_278 = arith.extui %sign3A_277 : i1 to i32
      %sign3A_279 = arith.constant 0 : i32
      %sign3A_280 = arith.cmpi slt, %jit3A_267, %sign3A_279 : i32
      %sign3A_281 = arith.extui %sign3A_280 : i1 to i32
      %sign3A_282 = arith.subi %sign3A_278, %sign3A_281 : i32
      %ne3A_283 = arith.cmpi ne, %sign3A_275, %sign3A_282 : i32
      %rem3A_284 = arith.remsi %rem3A_264, %jit3A_267 : i32
      %ne3A_285 = arith.constant 0 : i32
      %ne3A_286 = arith.cmpi ne, %rem3A_284, %ne3A_285 : i32
      %and3A_287 = arith.andi %ne3A_283, %ne3A_286 : i1
      %sub3A_288 = arith.constant 1 : i32
      %sub3A_289 = arith.subi %div3A_268, %sub3A_288 : i32
      %select_n3A_290 = arith.select %and3A_287, %sub3A_289, %div3A_268 : i32
      %rem3A_291 = arith.constant 2 : i32
      %rem3A_292 = arith.remsi %rem3A_264, %rem3A_291 : i32
      %mul3A_293 = arith.constant 16000 : i32
      %mul3A_294 = arith.muli %rem3A_292, %mul3A_293 : i32
      %multiple_of3A_295 = tpu.assume_multiple %mul3A_294, 128 : i32
      %mul3A_296 = arith.constant 16000 : i32
      %mul3A_297 = arith.muli %rem3A_264, %mul3A_296 : i32
      %multiple_of3A_298 = tpu.assume_multiple %mul3A_297, 128 : i32
      %dma_wait3A_299 = arith.constant 0 : i32
      %dma_wait3A_300 = arith.constant 0 : i32
      %dma_wait3A_301 = tpu.memref_slice %arg14[%mul3A_266] : memref<32000xi32, #tpu.memory_space<vmem>> -> memref<16000xi32, #tpu.memory_space<vmem>>
      %dma_wait3A_302 = tpu.memref_slice %arg3[%select_n3A_290, %dma_wait3A_299, %multiple_of3A_295] : memref<5x1x32000xi32, #tpu.memory_space<hbm>> -> memref<1x1x16000xi32, #tpu.memory_space<hbm>>
      %dma_wait3A_303 = tpu.memref_squeeze %dma_wait3A_302 : memref<1x1x16000xi32, #tpu.memory_space<hbm>> -> memref<16000xi32, #tpu.memory_space<hbm>>
      %dma_wait3A_304 = tpu.memref_slice %arg20[%and3A_257, %dma_wait3A_300] : memref<2x4x!tpu.dma_semaphore, #tpu.memory_space<semaphore_mem>> -> memref<1x1x!tpu.dma_semaphore, #tpu.memory_space<semaphore_mem>>
      %dma_wait3A_305 = tpu.memref_squeeze %dma_wait3A_304 : memref<1x1x!tpu.dma_semaphore, #tpu.memory_space<semaphore_mem>> -> memref<!tpu.dma_semaphore, #tpu.memory_space<semaphore_mem>>
      %dma_wait3A_306 = tpu.memref_slice %arg14[%mul3A_266] : memref<32000xi32, #tpu.memory_space<vmem>> -> memref<16000xi32, #tpu.memory_space<vmem>>
      %dma_wait3A_307 = tpu.memref_slice %arg3[%select_n3A_290, %dma_wait3A_299, %multiple_of3A_295] : memref<5x1x32000xi32, #tpu.memory_space<hbm>> -> memref<1x1x16000xi32, #tpu.memory_space<hbm>>
      %dma_wait3A_308 = tpu.memref_squeeze %dma_wait3A_307 : memref<1x1x16000xi32, #tpu.memory_space<hbm>> -> memref<16000xi32, #tpu.memory_space<hbm>>
      tpu.wait_dma2 semaphore(%dma_wait3A_305 : memref<!tpu.dma_semaphore, #tpu.memory_space<semaphore_mem>>) src(%dma_wait3A_308 : memref<16000xi32, #tpu.memory_space<hbm>>) dst(%dma_wait3A_306 : memref<16000xi32, #tpu.memory_space<vmem>>)
      %dma_wait3A_309 = arith.constant 1 : i32
      %dma_wait3A_310 = tpu.memref_slice %arg15[%mul3A_266] : memref<32000xf32, #tpu.memory_space<vmem>> -> memref<16000xf32, #tpu.memory_space<vmem>>
      %dma_wait3A_311 = tpu.memref_slice %arg4[%multiple_of3A_298] : memref<160000xf32, #tpu.memory_space<hbm>> -> memref<16000xf32, #tpu.memory_space<hbm>>
      %dma_wait3A_312 = tpu.memref_slice %arg20[%and3A_257, %dma_wait3A_309] : memref<2x4x!tpu.dma_semaphore, #tpu.memory_space<semaphore_mem>> -> memref<1x1x!tpu.dma_semaphore, #tpu.memory_space<semaphore_mem>>
      %dma_wait3A_313 = tpu.memref_squeeze %dma_wait3A_312 : memref<1x1x!tpu.dma_semaphore, #tpu.memory_space<semaphore_mem>> -> memref<!tpu.dma_semaphore, #tpu.memory_space<semaphore_mem>>
      %dma_wait3A_314 = tpu.memref_slice %arg15[%mul3A_266] : memref<32000xf32, #tpu.memory_space<vmem>> -> memref<16000xf32, #tpu.memory_space<vmem>>
      %dma_wait3A_315 = tpu.memref_slice %arg4[%multiple_of3A_298] : memref<160000xf32, #tpu.memory_space<hbm>> -> memref<16000xf32, #tpu.memory_space<hbm>>
      tpu.wait_dma2 semaphore(%dma_wait3A_313 : memref<!tpu.dma_semaphore, #tpu.memory_space<semaphore_mem>>) src(%dma_wait3A_315 : memref<16000xf32, #tpu.memory_space<hbm>>) dst(%dma_wait3A_314 : memref<16000xf32, #tpu.memory_space<vmem>>)
      %mul3A_316 = arith.constant 16000 : i32
      %mul3A_317 = arith.muli %and3A_257, %mul3A_316 : i32
      %parallel_loop3A_318 = arith.constant 0 : i32
      %parallel_loop3A_319 = arith.constant 1000 : i32
      %parallel_loop3A_320 = arith.constant 1 : i32
      scf.for %parallel_loop3A_321 = %parallel_loop3A_318 to %parallel_loop3A_319 step %parallel_loop3A_320  : i32 {
        %parallel_loop3A_322 = arith.constant 16 : i32
        %parallel_loop3A_323 = arith.muli %parallel_loop3A_321, %parallel_loop3A_322 : i32
        %parallel_loop3A_324 = arith.addi %mul3A_317, %parallel_loop3A_323 : i32
        %parallel_loop3A_325 = arith.index_cast %parallel_loop3A_324 : i32 to index
        %parallel_loop3A_326 = tpu.vector_load %arg14[%parallel_loop3A_325] {strides = array<i32>} : memref<32000xi32, #tpu.memory_space<vmem>>, vector<16xi32>,
        %parallel_loop3A_327 = arith.constant 16383 : i32
        %parallel_loop3A_328 = vector.broadcast %parallel_loop3A_327 : i32 to vector<16xi32>
        %parallel_loop3A_329 = arith.andi %parallel_loop3A_326, %parallel_loop3A_328 : vector<16xi32>
        %parallel_loop3A_330 = arith.constant 14 : i32
        %parallel_loop3A_331 = vector.broadcast %parallel_loop3A_330 : i32 to vector<16xi32>
        %parallel_loop3A_332 = arith.shrsi %parallel_loop3A_326, %parallel_loop3A_331 : vector<16xi32>
        %parallel_loop3A_333 = arith.index_cast %parallel_loop3A_324 : i32 to index
        %parallel_loop3A_334 = tpu.vector_load %arg15[%parallel_loop3A_333] {strides = array<i32>} : memref<32000xf32, #tpu.memory_space<vmem>>, vector<16xf32>,
        %parallel_loop3A_335 = tpu.vector_load_idx %arg10[%parallel_loop3A_329] : memref<10240xi32, #tpu.memory_space<vmem>>[vector<16xi32>], vector<16xi32>,
        %parallel_loop3A_336 = arith.constant -65536 : i32
        %parallel_loop3A_337 = vector.broadcast %parallel_loop3A_336 : i32 to vector<16xi32>
        %parallel_loop3A_338 = arith.andi %parallel_loop3A_335, %parallel_loop3A_337 : vector<16xi32>
        %parallel_loop3A_339 = vector.bitcast %parallel_loop3A_338 : vector<16xi32> to vector<16xf32>
        %parallel_loop3A_340 = arith.constant 16 : i32
        %parallel_loop3A_341 = vector.broadcast %parallel_loop3A_340 : i32 to vector<16xi32>
        %parallel_loop3A_342 = arith.shli %parallel_loop3A_335, %parallel_loop3A_341 : vector<16xi32>
        %parallel_loop3A_343 = vector.bitcast %parallel_loop3A_342 : vector<16xi32> to vector<16xf32>
        %parallel_loop3A_344 = arith.mulf %parallel_loop3A_339, %parallel_loop3A_334 : vector<16xf32>
        tpu.vector_store_idx %arg11[%parallel_loop3A_332], %parallel_loop3A_344 {add = true} : memref<10240xf32, #tpu.memory_space<vmem>>[vector<16xi32>], vector<16xf32>,
        %parallel_loop3A_345 = arith.mulf %parallel_loop3A_343, %parallel_loop3A_334 : vector<16xf32>
        tpu.vector_store_idx %arg12[%parallel_loop3A_332], %parallel_loop3A_345 {add = true} : memref<10240xf32, #tpu.memory_space<vmem>>[vector<16xi32>], vector<16xf32>,
      } {sc.loop_unroll_factor = 4 : i64, sc.parallel_access}
    }
    %scan3A_110 = arith.constant 10 : i32
    %scan3A_111 = arith.constant 0 : i32
    %scan3A_112 = arith.constant 625 : i32
    %scan3A_113 = arith.addi %scan3A_111, %scan3A_112 : i32
    %scan3A_114 = arith.constant 1 : i32
    %scan3A_115:2 = scf.for %scan3A_255 = %scan3A_111 to %scan3A_113 step %scan3A_114 iter_args(%scan3A_256 = %broadcast_in_dim3A_78, %scan3A_257 = %broadcast_in_dim3A_78) -> (vector<16xf32>, vector<16xf32>)  : i32 {
      %mul3A_258 = arith.constant 16 : i32
      %mul3A_259 = arith.muli %scan3A_255, %mul3A_258 : i32
      %get3A = arith.index_cast %mul3A_259 : i32 to index
      %get3A_260 = tpu.vector_load %arg11[%get3A] {strides = array<i32>} : memref<10240xf32, #tpu.memory_space<vmem>>, vector<16xf32>,
      %add3A_261 = arith.addf %scan3A_256, %get3A_260 : vector<16xf32>
      %mul3A_262 = arith.mulf %get3A_260, %get3A_260 : vector<16xf32>
      %add3A_263 = arith.addf %scan3A_257, %mul3A_262 : vector<16xf32>
      scf.yield %add3A_261, %add3A_263 : vector<16xf32>, vector<16xf32>
    }
    %scan3A_116 = arith.constant 625 : i32
    %reduce_sum3A = arith.constant true
    %reduce_sum3A_117 = vector.broadcast %reduce_sum3A : i1 to vector<16xi1>
    %reduce_sum3A_118 = tpu.scan <sum>, %scan3A_115#0 masked %reduce_sum3A_117 : vector<16xf32>, vector<16xi1> -> vector<16xf32>
    %reduce_sum3A_119 = vector.extract %reduce_sum3A_118[15] : f32 from vector<16xf32>
    %reduce_sum3A_120 = arith.constant true
    %reduce_sum3A_121 = vector.broadcast %reduce_sum3A_120 : i1 to vector<16xi1>
    %reduce_sum3A_122 = tpu.scan <sum>, %scan3A_115#1 masked %reduce_sum3A_121 : vector<16xf32>, vector<16xi1> -> vector<16xf32>
    %reduce_sum3A_123 = vector.extract %reduce_sum3A_122[15] : f32 from vector<16xf32>
    %scan3A_124 = arith.constant 0 : i32
    %scan3A_125 = arith.constant 625 : i32
    %scan3A_126 = arith.addi %scan3A_124, %scan3A_125 : i32
    %scan3A_127 = arith.constant 1 : i32
    %scan3A_128:2 = scf.for %scan3A_255 = %scan3A_124 to %scan3A_126 step %scan3A_127 iter_args(%scan3A_256 = %broadcast_in_dim3A_78, %scan3A_257 = %broadcast_in_dim3A_78) -> (vector<16xf32>, vector<16xf32>)  : i32 {
      %mul3A_258 = arith.constant 16 : i32
      %mul3A_259 = arith.muli %scan3A_255, %mul3A_258 : i32
      %get3A = arith.index_cast %mul3A_259 : i32 to index
      %get3A_260 = tpu.vector_load %arg12[%get3A] {strides = array<i32>} : memref<10240xf32, #tpu.memory_space<vmem>>, vector<16xf32>,
      %add3A_261 = arith.addf %scan3A_256, %get3A_260 : vector<16xf32>
      %mul3A_262 = arith.mulf %get3A_260, %get3A_260 : vector<16xf32>
      %add3A_263 = arith.addf %scan3A_257, %mul3A_262 : vector<16xf32>
      scf.yield %add3A_261, %add3A_263 : vector<16xf32>, vector<16xf32>
    }
    %scan3A_129 = arith.constant 625 : i32
    %reduce_sum3A_130 = arith.constant true
    %reduce_sum3A_131 = vector.broadcast %reduce_sum3A_130 : i1 to vector<16xi1>
    %reduce_sum3A_132 = tpu.scan <sum>, %scan3A_128#0 masked %reduce_sum3A_131 : vector<16xf32>, vector<16xi1> -> vector<16xf32>
    %reduce_sum3A_133 = vector.extract %reduce_sum3A_132[15] : f32 from vector<16xf32>
    %reduce_sum3A_134 = arith.constant true
    %reduce_sum3A_135 = vector.broadcast %reduce_sum3A_134 : i1 to vector<16xi1>
    %reduce_sum3A_136 = tpu.scan <sum>, %scan3A_128#1 masked %reduce_sum3A_135 : vector<16xf32>, vector<16xi1> -> vector<16xf32>
    %reduce_sum3A_137 = vector.extract %reduce_sum3A_136[15] : f32 from vector<16xf32>
    %mul3A_138 = arith.constant 9.99999974E-5 : f32
    %mul3A_139 = arith.mulf %reduce_sum3A_119, %mul3A_138 : f32
    %mul3A_140 = arith.constant 9.99999974E-5 : f32
    %mul3A_141 = arith.mulf %reduce_sum3A_133, %mul3A_140 : f32
    %mul3A_142 = arith.constant 9.99999974E-5 : f32
    %mul3A_143 = arith.mulf %reduce_sum3A_123, %mul3A_142 : f32
    %mul3A_144 = arith.mulf %mul3A_139, %mul3A_139 : f32
    %sub3A_145 = arith.subf %mul3A_143, %mul3A_144 : f32
    %mul3A_146 = arith.constant 9.99999974E-5 : f32
    %mul3A_147 = arith.mulf %reduce_sum3A_137, %mul3A_146 : f32
    %mul3A_148 = arith.mulf %mul3A_141, %mul3A_141 : f32
    %sub3A_149 = arith.subf %mul3A_147, %mul3A_148 : f32
    %broadcast_in_dim3A_150 = vector.broadcast %mul3A_2 : i32 to vector<16xi32>
    %add3A_151 = arith.constant 1 : i32
    %add3A_152 = arith.addi %mul3A_2, %add3A_151 : i32
    %broadcast_in_dim3A_153 = vector.broadcast %add3A_152 : i32 to vector<16xi32>
    %gather3A = tpu.vector_load_idx %arg16[%broadcast_in_dim3A_150] : memref<64xf32, #tpu.memory_space<vmem>>[vector<16xi32>], vector<16xf32>,
    %gather3A_154 = tpu.vector_load_idx %arg16[%broadcast_in_dim3A_153] : memref<64xf32, #tpu.memory_space<vmem>>[vector<16xi32>], vector<16xf32>,
    %gather3A_155 = tpu.vector_load_idx %arg17[%broadcast_in_dim3A_150] : memref<64xf32, #tpu.memory_space<vmem>>[vector<16xi32>], vector<16xf32>,
    %gather3A_156 = tpu.vector_load_idx %arg17[%broadcast_in_dim3A_153] : memref<64xf32, #tpu.memory_space<vmem>>[vector<16xi32>], vector<16xf32>,
    %gather3A_157 = tpu.vector_load_idx %arg18[%broadcast_in_dim3A_150] : memref<64xf32, #tpu.memory_space<vmem>>[vector<16xi32>], vector<16xf32>,
    %gather3A_158 = tpu.vector_load_idx %arg18[%broadcast_in_dim3A_153] : memref<64xf32, #tpu.memory_space<vmem>>[vector<16xi32>], vector<16xf32>,
    %broadcast_in_dim3A_159 = arith.constant 0 : i32
    %broadcast_in_dim3A_160 = vector.broadcast %broadcast_in_dim3A_159 : i32 to vector<16xi32>
    %gather3A_161 = tpu.vector_load_idx %arg19[%broadcast_in_dim3A_160] : memref<1xf32, #tpu.memory_space<vmem>>[vector<16xi32>], vector<16xf32>,
    %broadcast_in_dim3A_162 = vector.broadcast %sub3A_145 : f32 to vector<16xf32>
    %add3A_163 = arith.constant 9.99999974E-6 : f32
    %add3A_164 = vector.broadcast %add3A_163 : f32 to vector<16xf32>
    %add3A_165 = arith.addf %broadcast_in_dim3A_162, %add3A_164 : vector<16xf32>
    %bitcast3A = vector.bitcast %add3A_165 : vector<16xf32> to vector<16xi32>
    %shift_right_arithmetic3A = arith.constant 1 : i32
    %shift_right_arithmetic3A_166 = vector.broadcast %shift_right_arithmetic3A : i32 to vector<16xi32>
    %shift_right_arithmetic3A_167 = arith.shrsi %bitcast3A, %shift_right_arithmetic3A_166 : vector<16xi32>
    %sub3A_168 = arith.constant 1597463007 : i32
    %sub3A_169 = vector.broadcast %sub3A_168 : i32 to vector<16xi32>
    %sub3A_170 = arith.subi %sub3A_169, %shift_right_arithmetic3A_167 : vector<16xi32>
    %bitcast3A_171 = vector.bitcast %sub3A_170 : vector<16xi32> to vector<16xf32>
    %mul3A_172 = arith.constant 5.000000e-01 : f32
    %mul3A_173 = vector.broadcast %mul3A_172 : f32 to vector<16xf32>
    %mul3A_174 = arith.mulf %mul3A_173, %add3A_165 : vector<16xf32>
    %mul3A_175 = arith.mulf %mul3A_174, %bitcast3A_171 : vector<16xf32>
    %mul3A_176 = arith.mulf %mul3A_175, %bitcast3A_171 : vector<16xf32>
    %sub3A_177 = arith.constant 1.500000e+00 : f32
    %sub3A_178 = vector.broadcast %sub3A_177 : f32 to vector<16xf32>
    %sub3A_179 = arith.subf %sub3A_178, %mul3A_176 : vector<16xf32>
    %mul3A_180 = arith.mulf %bitcast3A_171, %sub3A_179 : vector<16xf32>
    %mul3A_181 = arith.constant 5.000000e-01 : f32
    %mul3A_182 = vector.broadcast %mul3A_181 : f32 to vector<16xf32>
    %mul3A_183 = arith.mulf %mul3A_182, %add3A_165 : vector<16xf32>
    %mul3A_184 = arith.mulf %mul3A_183, %mul3A_180 : vector<16xf32>
    %mul3A_185 = arith.mulf %mul3A_184, %mul3A_180 : vector<16xf32>
    %sub3A_186 = arith.constant 1.500000e+00 : f32
    %sub3A_187 = vector.broadcast %sub3A_186 : f32 to vector<16xf32>
    %sub3A_188 = arith.subf %sub3A_187, %mul3A_185 : vector<16xf32>
    %mul3A_189 = arith.mulf %mul3A_180, %sub3A_188 : vector<16xf32>
    %mul3A_190 = arith.constant 5.000000e-01 : f32
    %mul3A_191 = vector.broadcast %mul3A_190 : f32 to vector<16xf32>
    %mul3A_192 = arith.mulf %mul3A_191, %add3A_165 : vector<16xf32>
    %mul3A_193 = arith.mulf %mul3A_192, %mul3A_189 : vector<16xf32>
    %mul3A_194 = arith.mulf %mul3A_193, %mul3A_189 : vector<16xf32>
    %sub3A_195 = arith.constant 1.500000e+00 : f32
    %sub3A_196 = vector.broadcast %sub3A_195 : f32 to vector<16xf32>
    %sub3A_197 = arith.subf %sub3A_196, %mul3A_194 : vector<16xf32>
    %mul3A_198 = arith.mulf %mul3A_189, %sub3A_197 : vector<16xf32>
    %mul3A_199 = arith.mulf %mul3A_198, %gather3A : vector<16xf32>
    %broadcast_in_dim3A_200 = vector.broadcast %sub3A_149 : f32 to vector<16xf32>
    %add3A_201 = arith.constant 9.99999974E-6 : f32
    %add3A_202 = vector.broadcast %add3A_201 : f32 to vector<16xf32>
    %add3A_203 = arith.addf %broadcast_in_dim3A_200, %add3A_202 : vector<16xf32>
    %bitcast3A_204 = vector.bitcast %add3A_203 : vector<16xf32> to vector<16xi32>
    %shift_right_arithmetic3A_205 = arith.constant 1 : i32
    %shift_right_arithmetic3A_206 = vector.broadcast %shift_right_arithmetic3A_205 : i32 to vector<16xi32>
    %shift_right_arithmetic3A_207 = arith.shrsi %bitcast3A_204, %shift_right_arithmetic3A_206 : vector<16xi32>
    %sub3A_208 = arith.constant 1597463007 : i32
    %sub3A_209 = vector.broadcast %sub3A_208 : i32 to vector<16xi32>
    %sub3A_210 = arith.subi %sub3A_209, %shift_right_arithmetic3A_207 : vector<16xi32>
    %bitcast3A_211 = vector.bitcast %sub3A_210 : vector<16xi32> to vector<16xf32>
    %mul3A_212 = arith.constant 5.000000e-01 : f32
    %mul3A_213 = vector.broadcast %mul3A_212 : f32 to vector<16xf32>
    %mul3A_214 = arith.mulf %mul3A_213, %add3A_203 : vector<16xf32>
    %mul3A_215 = arith.mulf %mul3A_214, %bitcast3A_211 : vector<16xf32>
    %mul3A_216 = arith.mulf %mul3A_215, %bitcast3A_211 : vector<16xf32>
    %sub3A_217 = arith.constant 1.500000e+00 : f32
    %sub3A_218 = vector.broadcast %sub3A_217 : f32 to vector<16xf32>
    %sub3A_219 = arith.subf %sub3A_218, %mul3A_216 : vector<16xf32>
    %mul3A_220 = arith.mulf %bitcast3A_211, %sub3A_219 : vector<16xf32>
    %mul3A_221 = arith.constant 5.000000e-01 : f32
    %mul3A_222 = vector.broadcast %mul3A_221 : f32 to vector<16xf32>
    %mul3A_223 = arith.mulf %mul3A_222, %add3A_203 : vector<16xf32>
    %mul3A_224 = arith.mulf %mul3A_223, %mul3A_220 : vector<16xf32>
    %mul3A_225 = arith.mulf %mul3A_224, %mul3A_220 : vector<16xf32>
    %sub3A_226 = arith.constant 1.500000e+00 : f32
    %sub3A_227 = vector.broadcast %sub3A_226 : f32 to vector<16xf32>
    %sub3A_228 = arith.subf %sub3A_227, %mul3A_225 : vector<16xf32>
    %mul3A_229 = arith.mulf %mul3A_220, %sub3A_228 : vector<16xf32>
    %mul3A_230 = arith.constant 5.000000e-01 : f32
    %mul3A_231 = vector.broadcast %mul3A_230 : f32 to vector<16xf32>
    %mul3A_232 = arith.mulf %mul3A_231, %add3A_203 : vector<16xf32>
    %mul3A_233 = arith.mulf %mul3A_232, %mul3A_229 : vector<16xf32>
    %mul3A_234 = arith.mulf %mul3A_233, %mul3A_229 : vector<16xf32>
    %sub3A_235 = arith.constant 1.500000e+00 : f32
    %sub3A_236 = vector.broadcast %sub3A_235 : f32 to vector<16xf32>
    %sub3A_237 = arith.subf %sub3A_236, %mul3A_234 : vector<16xf32>
    %mul3A_238 = arith.mulf %mul3A_229, %sub3A_237 : vector<16xf32>
    %mul3A_239 = arith.mulf %mul3A_238, %gather3A_154 : vector<16xf32>
    %broadcast_in_dim3A_240 = vector.broadcast %mul3A_139 : f32 to vector<16xf32>
    %mul3A_241 = arith.mulf %broadcast_in_dim3A_240, %mul3A_199 : vector<16xf32>
    %sub3A_242 = arith.subf %gather3A_155, %mul3A_241 : vector<16xf32>
    %broadcast_in_dim3A_243 = vector.broadcast %mul3A_141 : f32 to vector<16xf32>
    %mul3A_244 = arith.mulf %broadcast_in_dim3A_243, %mul3A_239 : vector<16xf32>
    %sub3A_245 = arith.subf %gather3A_156, %mul3A_244 : vector<16xf32>
    %eq3A = arith.constant 0 : i32
    %eq3A_246 = arith.cmpi eq, %add3A, %eq3A : i32
    %jit3A_247 = arith.constant 1.000000e+00 : f32
    %jit3A_248 = arith.constant 0.000000e+00 : f32
    %select_n3A_249 = arith.select %eq3A_246, %jit3A_247, %jit3A_248 : f32
    %mul3A_250 = vector.broadcast %select_n3A_249 : f32 to vector<16xf32>
    %mul3A_251 = arith.mulf %gather3A_161, %mul3A_250 : vector<16xf32>
    %parallel_loop3A_252 = arith.constant 0 : i32
    %parallel_loop3A_253 = arith.constant 625 : i32
    %parallel_loop3A_254 = arith.constant 1 : i32
    scf.for %parallel_loop3A_255 = %parallel_loop3A_252 to %parallel_loop3A_253 step %parallel_loop3A_254  : i32 {
      %parallel_loop3A_256 = arith.constant 16 : i32
      %parallel_loop3A_257 = arith.muli %parallel_loop3A_255, %parallel_loop3A_256 : i32
      %parallel_loop3A_258 = arith.index_cast %parallel_loop3A_257 : i32 to index
      %parallel_loop3A_259 = tpu.vector_load %arg11[%parallel_loop3A_258] {strides = array<i32>} : memref<10240xf32, #tpu.memory_space<vmem>>, vector<16xf32>,
      %parallel_loop3A_260 = arith.mulf %parallel_loop3A_259, %mul3A_199 : vector<16xf32>
      %parallel_loop3A_261 = arith.addf %parallel_loop3A_260, %sub3A_242 : vector<16xf32>
      %parallel_loop3A_262 = arith.constant 0.000000e+00 : f32
      %parallel_loop3A_263 = vector.broadcast %parallel_loop3A_262 : f32 to vector<16xf32>
      %parallel_loop3A_264 = arith.maximumf %parallel_loop3A_261, %parallel_loop3A_263 : vector<16xf32>
      %parallel_loop3A_265 = arith.index_cast %parallel_loop3A_257 : i32 to index
      %parallel_loop3A_266 = tpu.vector_load %arg12[%parallel_loop3A_265] {strides = array<i32>} : memref<10240xf32, #tpu.memory_space<vmem>>, vector<16xf32>,
      %parallel_loop3A_267 = arith.mulf %parallel_loop3A_266, %mul3A_239 : vector<16xf32>
      %parallel_loop3A_268 = arith.addf %parallel_loop3A_267, %sub3A_245 : vector<16xf32>
      %parallel_loop3A_269 = arith.constant 0.000000e+00 : f32
      %parallel_loop3A_270 = vector.broadcast %parallel_loop3A_269 : f32 to vector<16xf32>
      %parallel_loop3A_271 = arith.maximumf %parallel_loop3A_268, %parallel_loop3A_270 : vector<16xf32>
      %parallel_loop3A_272 = arith.mulf %parallel_loop3A_264, %gather3A_157 : vector<16xf32>
      %parallel_loop3A_273 = arith.mulf %parallel_loop3A_271, %gather3A_158 : vector<16xf32>
      %parallel_loop3A_274 = arith.addf %parallel_loop3A_272, %parallel_loop3A_273 : vector<16xf32>
      %parallel_loop3A_275 = arith.addf %parallel_loop3A_274, %mul3A_251 : vector<16xf32>
      %parallel_loop3A_276 = arith.index_cast %parallel_loop3A_257 : i32 to index
      %parallel_loop3A_277 = tpu.vector_load %arg13[%parallel_loop3A_276] {strides = array<i32>} : memref<10240xf32, #tpu.memory_space<vmem>>, vector<16xf32>,
      tpu.vector_store %arg13[%parallel_loop3A_276], %parallel_loop3A_275 {strides = array<i32>} : memref<10240xf32, #tpu.memory_space<vmem>>, vector<16xf32>,
    } {sc.loop_unroll_factor = 4 : i64, sc.parallel_access}
    "tpu.region"() ({
      %run_scoped3A_255 = tpu.sem_alloc : memref<!tpu.dma_semaphore, #tpu.memory_space<semaphore_mem>>
      %dma_start3A_256 = arith.constant 0 : i32
      %dma_start3A_257 = tpu.memref_slice %arg9[%add3A, %dma_start3A_256] : memref<32x10240xf32, #tpu.memory_space<hbm>> -> memref<1x10240xf32, #tpu.memory_space<hbm>>
      %dma_start3A_258 = tpu.memref_squeeze %dma_start3A_257 : memref<1x10240xf32, #tpu.memory_space<hbm>> -> memref<10240xf32, #tpu.memory_space<hbm>>
      %dma_start3A_259 = arith.constant 0 : i32
      %dma_start3A_260 = tpu.memref_slice %arg9[%add3A, %dma_start3A_259] : memref<32x10240xf32, #tpu.memory_space<hbm>> -> memref<1x10240xf32, #tpu.memory_space<hbm>>
      %dma_start3A_261 = tpu.memref_squeeze %dma_start3A_260 : memref<1x10240xf32, #tpu.memory_space<hbm>> -> memref<10240xf32, #tpu.memory_space<hbm>>
      tpu.enqueue_dma source(%arg13 : memref<10240xf32, #tpu.memory_space<vmem>>) target(%dma_start3A_261 : memref<10240xf32, #tpu.memory_space<hbm>>) target_semaphore(%run_scoped3A_255 : memref<!tpu.dma_semaphore, #tpu.memory_space<semaphore_mem>>)
      %dma_wait3A_262 = arith.constant 0 : i32
      %dma_wait3A_263 = tpu.memref_slice %arg9[%add3A, %dma_wait3A_262] : memref<32x10240xf32, #tpu.memory_space<hbm>> -> memref<1x10240xf32, #tpu.memory_space<hbm>>
      %dma_wait3A_264 = tpu.memref_squeeze %dma_wait3A_263 : memref<1x10240xf32, #tpu.memory_space<hbm>> -> memref<10240xf32, #tpu.memory_space<hbm>>
      %dma_wait3A_265 = arith.constant 0 : i32
      %dma_wait3A_266 = tpu.memref_slice %arg9[%add3A, %dma_wait3A_265] : memref<32x10240xf32, #tpu.memory_space<hbm>> -> memref<1x10240xf32, #tpu.memory_space<hbm>>
      %dma_wait3A_267 = tpu.memref_squeeze %dma_wait3A_266 : memref<1x10240xf32, #tpu.memory_space<hbm>> -> memref<10240xf32, #tpu.memory_space<hbm>>
      tpu.wait_dma2 semaphore(%run_scoped3A_255 : memref<!tpu.dma_semaphore, #tpu.memory_space<semaphore_mem>>) src(%arg13 : memref<10240xf32, #tpu.memory_space<vmem>>) dst(%dma_wait3A_267 : memref<10240xf32, #tpu.memory_space<hbm>>)
      tpu.yield
    }) : () -> ()
    return
  }
}

#map = affine_map<(d0, d1) -> (0, 0)>
#map1 = affine_map<(d0, d1) -> (0, 0, 0)>
#map2 = affine_map<(d0, d1) -> (0)>
module attributes {stable_mosaic.version = 14 : i64} {
  func.func @_spmm2_body(%arg0: i32, %arg1: i32, %arg2: memref<32x10240xf32, #tpu.memory_space<hbm>>, %arg3: memref<5x1x32000xi32, #tpu.memory_space<hbm>>, %arg4: memref<160000xf32, #tpu.memory_space<hbm>>, %arg5: memref<10240xf32, #tpu.memory_space<hbm>>, %arg6: memref<10240xf32, #tpu.memory_space<vmem>>, %arg7: memref<10240xf32, #tpu.memory_space<vmem>>, %arg8: memref<1280xf32, #tpu.memory_space<vmem>>, %arg9: memref<640xf32, #tpu.memory_space<vmem>>, %arg10: memref<12800xi32, #tpu.memory_space<vmem>>, %arg11: memref<12800xf32, #tpu.memory_space<vmem>>, %arg12: memref<10240xf32, #tpu.memory_space<vmem_shared>>, %arg13: memref<16x10240xf32, #tpu.memory_space<vmem_shared>>, %arg14: memref<2x4x!tpu.dma_semaphore, #tpu.memory_space<semaphore_mem>>, %arg15: memref<2x!tpu.dma_semaphore, #tpu.memory_space<semaphore_mem>>) attributes {dimension_semantics = [#tpu.dimension_semantics<core_parallel>, #tpu.dimension_semantics<subcore_parallel>], iteration_bounds = array<i64: 2, 16>, scalar_prefetch = 0 : i64, scratch_operands = 10 : i64, tpu.core_type = #tpu.core_type<sc_vector_subcore>, window_params = [{transform_indices = #map}, {transform_indices = #map1}, {transform_indices = #map2}, {transform_indices = #map2}]} {
    %broadcast_in_dim3A = arith.constant 0.000000e+00 : f32
    %broadcast_in_dim3A_0 = vector.broadcast %broadcast_in_dim3A : f32 to vector<16xf32>
    %eq3A = arith.constant 0 : i32
    %eq3A_1 = arith.cmpi eq, %arg0, %eq3A : i32
    %convert_element_type3A = arith.extui %eq3A_1 : i1 to i32
    %cond3A = arith.constant 0 : i32
    %cond3A_2 = arith.cmpi ne, %convert_element_type3A, %cond3A : i32
    scf.if %cond3A_2 {
      %mul3A = arith.constant 640 : i32
      %mul3A_3 = arith.muli %arg1, %mul3A : i32
      %multiple_of3A = tpu.assume_multiple %mul3A_3, 128 : i32
      %parallel_loop3A = arith.constant 0 : i32
      %parallel_loop3A_4 = arith.constant 40 : i32
      %parallel_loop3A_5 = arith.constant 1 : i32
      scf.for %parallel_loop3A_111 = %parallel_loop3A to %parallel_loop3A_4 step %parallel_loop3A_5  : i32 {
        %parallel_loop3A_112 = arith.constant 16 : i32
        %parallel_loop3A_113 = arith.muli %parallel_loop3A_111, %parallel_loop3A_112 : i32
        %parallel_loop3A_114 = arith.index_cast %parallel_loop3A_113 : i32 to index
        %parallel_loop3A_115 = tpu.vector_load %arg9[%parallel_loop3A_114] {strides = array<i32>} : memref<640xf32, #tpu.memory_space<vmem>>, vector<16xf32>,
        tpu.vector_store %arg9[%parallel_loop3A_114], %broadcast_in_dim3A_0 {strides = array<i32>} : memref<640xf32, #tpu.memory_space<vmem>>, vector<16xf32>,
      } {sc.loop_unroll_factor = 1 : i64, sc.parallel_access}
      %and3A = arith.constant 0 : i32
      %and3A_6 = arith.constant 1 : i32
      %and3A_7 = arith.andi %and3A, %and3A_6 : i32
      %mul3A_8 = arith.constant 640 : i32
      %mul3A_9 = arith.muli %and3A_7, %mul3A_8 : i32
      %and3A_10 = arith.constant 0 : i32
      %and3A_11 = arith.constant 1 : i32
      %and3A_12 = arith.andi %and3A_10, %and3A_11 : i32
      %dma_start3A = arith.constant 0 : i32
      %dma_start3A_13 = tpu.memref_slice %arg8[%mul3A_9] : memref<1280xf32, #tpu.memory_space<vmem>> -> memref<640xf32, #tpu.memory_space<vmem>>
      %dma_start3A_14 = tpu.memref_slice %arg2[%dma_start3A, %multiple_of3A] : memref<32x10240xf32, #tpu.memory_space<hbm>> -> memref<1x640xf32, #tpu.memory_space<hbm>>
      %dma_start3A_15 = tpu.memref_squeeze %dma_start3A_14 : memref<1x640xf32, #tpu.memory_space<hbm>> -> memref<640xf32, #tpu.memory_space<hbm>>
      %dma_start3A_16 = tpu.memref_slice %arg15[%and3A_12] : memref<2x!tpu.dma_semaphore, #tpu.memory_space<semaphore_mem>> -> memref<1x!tpu.dma_semaphore, #tpu.memory_space<semaphore_mem>>
      %dma_start3A_17 = tpu.memref_squeeze %dma_start3A_16 : memref<1x!tpu.dma_semaphore, #tpu.memory_space<semaphore_mem>> -> memref<!tpu.dma_semaphore, #tpu.memory_space<semaphore_mem>>
      %dma_start3A_18 = tpu.memref_slice %arg8[%mul3A_9] : memref<1280xf32, #tpu.memory_space<vmem>> -> memref<640xf32, #tpu.memory_space<vmem>>
      %dma_start3A_19 = tpu.memref_slice %arg2[%dma_start3A, %multiple_of3A] : memref<32x10240xf32, #tpu.memory_space<hbm>> -> memref<1x640xf32, #tpu.memory_space<hbm>>
      %dma_start3A_20 = tpu.memref_squeeze %dma_start3A_19 : memref<1x640xf32, #tpu.memory_space<hbm>> -> memref<640xf32, #tpu.memory_space<hbm>>
      tpu.enqueue_dma source(%dma_start3A_20 : memref<640xf32, #tpu.memory_space<hbm>>) target(%dma_start3A_18 : memref<640xf32, #tpu.memory_space<vmem>>) target_semaphore(%dma_start3A_17 : memref<!tpu.dma_semaphore, #tpu.memory_space<semaphore_mem>>)
      %scan3A = arith.constant 0 : i32
      %scan3A_21 = arith.constant 0 : i32
      %scan3A_22 = arith.constant 32 : i32
      %scan3A_23 = arith.addi %scan3A_21, %scan3A_22 : i32
      %scan3A_24 = arith.constant 1 : i32
      scf.for %scan3A_111 = %scan3A_21 to %scan3A_23 step %scan3A_24  : i32 {
        %add3A_112 = arith.constant 1 : i32
        %add3A_113 = arith.addi %scan3A_111, %add3A_112 : i32
        %lt3A = arith.constant 32 : i32
        %lt3A_114 = arith.cmpi slt, %add3A_113, %lt3A : i32
        %convert_element_type3A_115 = arith.extui %lt3A_114 : i1 to i32
        %cond3A_116 = arith.constant 0 : i32
        %cond3A_117 = arith.cmpi ne, %convert_element_type3A_115, %cond3A_116 : i32
        scf.if %cond3A_117 {
          %add3A_138 = arith.constant 1 : i32
          %add3A_139 = arith.addi %scan3A_111, %add3A_138 : i32
          %and3A_140 = arith.constant 1 : i32
          %and3A_141 = arith.andi %add3A_139, %and3A_140 : i32
          %mul3A_142 = arith.constant 640 : i32
          %mul3A_143 = arith.muli %and3A_141, %mul3A_142 : i32
          %and3A_144 = arith.constant 1 : i32
          %and3A_145 = arith.andi %add3A_139, %and3A_144 : i32
          %dma_start3A_146 = tpu.memref_slice %arg8[%mul3A_143] : memref<1280xf32, #tpu.memory_space<vmem>> -> memref<640xf32, #tpu.memory_space<vmem>>
          %dma_start3A_147 = tpu.memref_slice %arg2[%add3A_139, %multiple_of3A] : memref<32x10240xf32, #tpu.memory_space<hbm>> -> memref<1x640xf32, #tpu.memory_space<hbm>>
          %dma_start3A_148 = tpu.memref_squeeze %dma_start3A_147 : memref<1x640xf32, #tpu.memory_space<hbm>> -> memref<640xf32, #tpu.memory_space<hbm>>
          %dma_start3A_149 = tpu.memref_slice %arg15[%and3A_145] : memref<2x!tpu.dma_semaphore, #tpu.memory_space<semaphore_mem>> -> memref<1x!tpu.dma_semaphore, #tpu.memory_space<semaphore_mem>>
          %dma_start3A_150 = tpu.memref_squeeze %dma_start3A_149 : memref<1x!tpu.dma_semaphore, #tpu.memory_space<semaphore_mem>> -> memref<!tpu.dma_semaphore, #tpu.memory_space<semaphore_mem>>
          %dma_start3A_151 = tpu.memref_slice %arg8[%mul3A_143] : memref<1280xf32, #tpu.memory_space<vmem>> -> memref<640xf32, #tpu.memory_space<vmem>>
          %dma_start3A_152 = tpu.memref_slice %arg2[%add3A_139, %multiple_of3A] : memref<32x10240xf32, #tpu.memory_space<hbm>> -> memref<1x640xf32, #tpu.memory_space<hbm>>
          %dma_start3A_153 = tpu.memref_squeeze %dma_start3A_152 : memref<1x640xf32, #tpu.memory_space<hbm>> -> memref<640xf32, #tpu.memory_space<hbm>>
          tpu.enqueue_dma source(%dma_start3A_153 : memref<640xf32, #tpu.memory_space<hbm>>) target(%dma_start3A_151 : memref<640xf32, #tpu.memory_space<vmem>>) target_semaphore(%dma_start3A_150 : memref<!tpu.dma_semaphore, #tpu.memory_space<semaphore_mem>>)
        } else {
        }
        %and3A_118 = arith.constant 1 : i32
        %and3A_119 = arith.andi %scan3A_111, %and3A_118 : i32
        %mul3A_120 = arith.constant 640 : i32
        %mul3A_121 = arith.muli %and3A_119, %mul3A_120 : i32
        %and3A_122 = arith.constant 1 : i32
        %and3A_123 = arith.andi %scan3A_111, %and3A_122 : i32
        %dma_wait3A = tpu.memref_slice %arg8[%mul3A_121] : memref<1280xf32, #tpu.memory_space<vmem>> -> memref<640xf32, #tpu.memory_space<vmem>>
        %dma_wait3A_124 = tpu.memref_slice %arg2[%scan3A_111, %multiple_of3A] : memref<32x10240xf32, #tpu.memory_space<hbm>> -> memref<1x640xf32, #tpu.memory_space<hbm>>
        %dma_wait3A_125 = tpu.memref_squeeze %dma_wait3A_124 : memref<1x640xf32, #tpu.memory_space<hbm>> -> memref<640xf32, #tpu.memory_space<hbm>>
        %dma_wait3A_126 = tpu.memref_slice %arg15[%and3A_123] : memref<2x!tpu.dma_semaphore, #tpu.memory_space<semaphore_mem>> -> memref<1x!tpu.dma_semaphore, #tpu.memory_space<semaphore_mem>>
        %dma_wait3A_127 = tpu.memref_squeeze %dma_wait3A_126 : memref<1x!tpu.dma_semaphore, #tpu.memory_space<semaphore_mem>> -> memref<!tpu.dma_semaphore, #tpu.memory_space<semaphore_mem>>
        %dma_wait3A_128 = tpu.memref_slice %arg8[%mul3A_121] : memref<1280xf32, #tpu.memory_space<vmem>> -> memref<640xf32, #tpu.memory_space<vmem>>
        %dma_wait3A_129 = tpu.memref_slice %arg2[%scan3A_111, %multiple_of3A] : memref<32x10240xf32, #tpu.memory_space<hbm>> -> memref<1x640xf32, #tpu.memory_space<hbm>>
        %dma_wait3A_130 = tpu.memref_squeeze %dma_wait3A_129 : memref<1x640xf32, #tpu.memory_space<hbm>> -> memref<640xf32, #tpu.memory_space<hbm>>
        tpu.wait_dma2 semaphore(%dma_wait3A_127 : memref<!tpu.dma_semaphore, #tpu.memory_space<semaphore_mem>>) src(%dma_wait3A_130 : memref<640xf32, #tpu.memory_space<hbm>>) dst(%dma_wait3A_128 : memref<640xf32, #tpu.memory_space<vmem>>)
        %and3A_131 = arith.constant 1 : i32
        %and3A_132 = arith.andi %scan3A_111, %and3A_131 : i32
        %mul3A_133 = arith.constant 640 : i32
        %mul3A_134 = arith.muli %and3A_132, %mul3A_133 : i32
        %parallel_loop3A_135 = arith.constant 0 : i32
        %parallel_loop3A_136 = arith.constant 40 : i32
        %parallel_loop3A_137 = arith.constant 1 : i32
        scf.for %parallel_loop3A_138 = %parallel_loop3A_135 to %parallel_loop3A_136 step %parallel_loop3A_137  : i32 {
          %parallel_loop3A_139 = arith.constant 16 : i32
          %parallel_loop3A_140 = arith.muli %parallel_loop3A_138, %parallel_loop3A_139 : i32
          %parallel_loop3A_141 = arith.index_cast %parallel_loop3A_140 : i32 to index
          %parallel_loop3A_142 = tpu.vector_load %arg9[%parallel_loop3A_141] {strides = array<i32>} : memref<640xf32, #tpu.memory_space<vmem>>, vector<16xf32>,
          %parallel_loop3A_143 = arith.constant 16 : i32
          %parallel_loop3A_144 = arith.muli %parallel_loop3A_138, %parallel_loop3A_143 : i32
          %parallel_loop3A_145 = arith.addi %mul3A_134, %parallel_loop3A_144 : i32
          %parallel_loop3A_146 = arith.index_cast %parallel_loop3A_145 : i32 to index
          %parallel_loop3A_147 = tpu.vector_load %arg8[%parallel_loop3A_146] {strides = array<i32>} : memref<1280xf32, #tpu.memory_space<vmem>>, vector<16xf32>,
          %parallel_loop3A_148 = arith.addf %parallel_loop3A_142, %parallel_loop3A_147 : vector<16xf32>
          %parallel_loop3A_149 = arith.index_cast %parallel_loop3A_140 : i32 to index
          %parallel_loop3A_150 = tpu.vector_load %arg9[%parallel_loop3A_149] {strides = array<i32>} : memref<640xf32, #tpu.memory_space<vmem>>, vector<16xf32>,
          tpu.vector_store %arg9[%parallel_loop3A_149], %parallel_loop3A_148 {strides = array<i32>} : memref<640xf32, #tpu.memory_space<vmem>>, vector<16xf32>,
        } {sc.loop_unroll_factor = 4 : i64, sc.parallel_access}
      }
      %scan3A_25 = arith.constant 32 : i32
      "tpu.region"() ({
        %run_scoped3A = tpu.sem_alloc : memref<!tpu.dma_semaphore, #tpu.memory_space<semaphore_mem>>
        %dma_start3A_111 = tpu.memref_slice %arg12[%multiple_of3A] : memref<10240xf32, #tpu.memory_space<vmem_shared>> -> memref<640xf32, #tpu.memory_space<vmem_shared>>
        %dma_start3A_112 = tpu.memref_slice %arg12[%multiple_of3A] : memref<10240xf32, #tpu.memory_space<vmem_shared>> -> memref<640xf32, #tpu.memory_space<vmem_shared>>
        tpu.enqueue_dma source(%arg9 : memref<640xf32, #tpu.memory_space<vmem>>) target(%dma_start3A_112 : memref<640xf32, #tpu.memory_space<vmem_shared>>) target_semaphore(%run_scoped3A : memref<!tpu.dma_semaphore, #tpu.memory_space<semaphore_mem>>)
        %dma_wait3A = tpu.memref_slice %arg12[%multiple_of3A] : memref<10240xf32, #tpu.memory_space<vmem_shared>> -> memref<640xf32, #tpu.memory_space<vmem_shared>>
        %dma_wait3A_113 = tpu.memref_slice %arg12[%multiple_of3A] : memref<10240xf32, #tpu.memory_space<vmem_shared>> -> memref<640xf32, #tpu.memory_space<vmem_shared>>
        tpu.wait_dma2 semaphore(%run_scoped3A : memref<!tpu.dma_semaphore, #tpu.memory_space<semaphore_mem>>) src(%arg9 : memref<640xf32, #tpu.memory_space<vmem>>) dst(%dma_wait3A_113 : memref<640xf32, #tpu.memory_space<vmem_shared>>)
        tpu.yield
      }) : () -> ()
      %barrier3A = arith.constant 0 : index
      tpu.barrier barrier_id(%barrier3A)
      "tpu.region"() ({
        %run_scoped3A = tpu.sem_alloc : memref<!tpu.dma_semaphore, #tpu.memory_space<semaphore_mem>>
        tpu.enqueue_dma source(%arg12 : memref<10240xf32, #tpu.memory_space<vmem_shared>>) target(%arg6 : memref<10240xf32, #tpu.memory_space<vmem>>) target_semaphore(%run_scoped3A : memref<!tpu.dma_semaphore, #tpu.memory_space<semaphore_mem>>)
        tpu.wait_dma2 semaphore(%run_scoped3A : memref<!tpu.dma_semaphore, #tpu.memory_space<semaphore_mem>>) src(%arg12 : memref<10240xf32, #tpu.memory_space<vmem_shared>>) dst(%arg6 : memref<10240xf32, #tpu.memory_space<vmem>>)
        tpu.yield
      }) : () -> ()
      %parallel_loop3A_26 = arith.constant 0 : i32
      %parallel_loop3A_27 = arith.constant 640 : i32
      %parallel_loop3A_28 = arith.constant 1 : i32
      scf.for %parallel_loop3A_111 = %parallel_loop3A_26 to %parallel_loop3A_27 step %parallel_loop3A_28  : i32 {
        %parallel_loop3A_112 = arith.constant 16 : i32
        %parallel_loop3A_113 = arith.muli %parallel_loop3A_111, %parallel_loop3A_112 : i32
        %parallel_loop3A_114 = arith.index_cast %parallel_loop3A_113 : i32 to index
        %parallel_loop3A_115 = tpu.vector_load %arg7[%parallel_loop3A_114] {strides = array<i32>} : memref<10240xf32, #tpu.memory_space<vmem>>, vector<16xf32>,
        tpu.vector_store %arg7[%parallel_loop3A_114], %broadcast_in_dim3A_0 {strides = array<i32>} : memref<10240xf32, #tpu.memory_space<vmem>>, vector<16xf32>,
      } {sc.loop_unroll_factor = 1 : i64, sc.parallel_access}
      %add3A = arith.constant 0 : i32
      %add3A_29 = arith.addi %add3A, %arg1 : i32
      %jit3A = arith.constant 5 : i32
      %div3A = arith.divsi %add3A_29, %jit3A : i32
      %sign3A = arith.constant 0 : i32
      %sign3A_30 = arith.cmpi sgt, %add3A_29, %sign3A : i32
      %sign3A_31 = arith.extui %sign3A_30 : i1 to i32
      %sign3A_32 = arith.constant 0 : i32
      %sign3A_33 = arith.cmpi slt, %add3A_29, %sign3A_32 : i32
      %sign3A_34 = arith.extui %sign3A_33 : i1 to i32
      %sign3A_35 = arith.subi %sign3A_31, %sign3A_34 : i32
      %sign3A_36 = arith.constant 0 : i32
      %sign3A_37 = arith.cmpi sgt, %jit3A, %sign3A_36 : i32
      %sign3A_38 = arith.extui %sign3A_37 : i1 to i32
      %sign3A_39 = arith.constant 0 : i32
      %sign3A_40 = arith.cmpi slt, %jit3A, %sign3A_39 : i32
      %sign3A_41 = arith.extui %sign3A_40 : i1 to i32
      %sign3A_42 = arith.subi %sign3A_38, %sign3A_41 : i32
      %ne3A = arith.cmpi ne, %sign3A_35, %sign3A_42 : i32
      %rem3A = arith.remsi %add3A_29, %jit3A : i32
      %ne3A_43 = arith.constant 0 : i32
      %ne3A_44 = arith.cmpi ne, %rem3A, %ne3A_43 : i32
      %and3A_45 = arith.andi %ne3A, %ne3A_44 : i1
      %sub3A = arith.constant 1 : i32
      %sub3A_46 = arith.subi %div3A, %sub3A : i32
      %select_n3A = arith.select %and3A_45, %sub3A_46, %div3A : i32
      %rem3A_47 = arith.constant 5 : i32
      %rem3A_48 = arith.remsi %add3A_29, %rem3A_47 : i32
      %mul3A_49 = arith.constant 6400 : i32
      %mul3A_50 = arith.muli %rem3A_48, %mul3A_49 : i32
      %multiple_of3A_51 = tpu.assume_multiple %mul3A_50, 128 : i32
      %mul3A_52 = arith.constant 6400 : i32
      %mul3A_53 = arith.muli %add3A_29, %mul3A_52 : i32
      %multiple_of3A_54 = tpu.assume_multiple %mul3A_53, 128 : i32
      %dma_start3A_55 = arith.constant 0 : i32
      %dma_start3A_56 = arith.constant 0 : i32
      %dma_start3A_57 = arith.constant 0 : i32
      %dma_start3A_58 = arith.constant 0 : i32
      %dma_start3A_59 = tpu.memref_slice %arg10[%dma_start3A_58] : memref<12800xi32, #tpu.memory_space<vmem>> -> memref<6400xi32, #tpu.memory_space<vmem>>
      %dma_start3A_60 = tpu.memref_slice %arg3[%select_n3A, %dma_start3A_55, %multiple_of3A_51] : memref<5x1x32000xi32, #tpu.memory_space<hbm>> -> memref<1x1x6400xi32, #tpu.memory_space<hbm>>
      %dma_start3A_61 = tpu.memref_squeeze %dma_start3A_60 : memref<1x1x6400xi32, #tpu.memory_space<hbm>> -> memref<6400xi32, #tpu.memory_space<hbm>>
      %dma_start3A_62 = tpu.memref_slice %arg14[%dma_start3A_56, %dma_start3A_57] : memref<2x4x!tpu.dma_semaphore, #tpu.memory_space<semaphore_mem>> -> memref<1x1x!tpu.dma_semaphore, #tpu.memory_space<semaphore_mem>>
      %dma_start3A_63 = tpu.memref_squeeze %dma_start3A_62 : memref<1x1x!tpu.dma_semaphore, #tpu.memory_space<semaphore_mem>> -> memref<!tpu.dma_semaphore, #tpu.memory_space<semaphore_mem>>
      %dma_start3A_64 = arith.constant 0 : i32
      %dma_start3A_65 = tpu.memref_slice %arg10[%dma_start3A_64] : memref<12800xi32, #tpu.memory_space<vmem>> -> memref<6400xi32, #tpu.memory_space<vmem>>
      %dma_start3A_66 = tpu.memref_slice %arg3[%select_n3A, %dma_start3A_55, %multiple_of3A_51] : memref<5x1x32000xi32, #tpu.memory_space<hbm>> -> memref<1x1x6400xi32, #tpu.memory_space<hbm>>
      %dma_start3A_67 = tpu.memref_squeeze %dma_start3A_66 : memref<1x1x6400xi32, #tpu.memory_space<hbm>> -> memref<6400xi32, #tpu.memory_space<hbm>>
      tpu.enqueue_dma source(%dma_start3A_67 : memref<6400xi32, #tpu.memory_space<hbm>>) target(%dma_start3A_65 : memref<6400xi32, #tpu.memory_space<vmem>>) target_semaphore(%dma_start3A_63 : memref<!tpu.dma_semaphore, #tpu.memory_space<semaphore_mem>>)
      %dma_start3A_68 = arith.constant 0 : i32
      %dma_start3A_69 = arith.constant 1 : i32
      %dma_start3A_70 = arith.constant 0 : i32
      %dma_start3A_71 = tpu.memref_slice %arg11[%dma_start3A_70] : memref<12800xf32, #tpu.memory_space<vmem>> -> memref<6400xf32, #tpu.memory_space<vmem>>
      %dma_start3A_72 = tpu.memref_slice %arg4[%multiple_of3A_54] : memref<160000xf32, #tpu.memory_space<hbm>> -> memref<6400xf32, #tpu.memory_space<hbm>>
      %dma_start3A_73 = tpu.memref_slice %arg14[%dma_start3A_68, %dma_start3A_69] : memref<2x4x!tpu.dma_semaphore, #tpu.memory_space<semaphore_mem>> -> memref<1x1x!tpu.dma_semaphore, #tpu.memory_space<semaphore_mem>>
      %dma_start3A_74 = tpu.memref_squeeze %dma_start3A_73 : memref<1x1x!tpu.dma_semaphore, #tpu.memory_space<semaphore_mem>> -> memref<!tpu.dma_semaphore, #tpu.memory_space<semaphore_mem>>
      %dma_start3A_75 = arith.constant 0 : i32
      %dma_start3A_76 = tpu.memref_slice %arg11[%dma_start3A_75] : memref<12800xf32, #tpu.memory_space<vmem>> -> memref<6400xf32, #tpu.memory_space<vmem>>
      %dma_start3A_77 = tpu.memref_slice %arg4[%multiple_of3A_54] : memref<160000xf32, #tpu.memory_space<hbm>> -> memref<6400xf32, #tpu.memory_space<hbm>>
      tpu.enqueue_dma source(%dma_start3A_77 : memref<6400xf32, #tpu.memory_space<hbm>>) target(%dma_start3A_76 : memref<6400xf32, #tpu.memory_space<vmem>>) target_semaphore(%dma_start3A_74 : memref<!tpu.dma_semaphore, #tpu.memory_space<semaphore_mem>>)
      %scan3A_78 = arith.constant 0 : i32
      %scan3A_79 = arith.constant 0 : i32
      %scan3A_80 = arith.constant 2 : i32
      %scan3A_81 = arith.addi %scan3A_79, %scan3A_80 : i32
      %scan3A_82 = arith.constant 1 : i32
      scf.for %scan3A_111 = %scan3A_79 to %scan3A_81 step %scan3A_82  : i32 {
        %mul3A_112 = arith.constant 16 : i32
        %mul3A_113 = arith.muli %scan3A_111, %mul3A_112 : i32
        %add3A_114 = arith.addi %mul3A_113, %arg1 : i32
        %and3A_115 = arith.constant 1 : i32
        %and3A_116 = arith.andi %scan3A_111, %and3A_115 : i32
        %lt3A = arith.constant 25 : i32
        %lt3A_117 = arith.cmpi slt, %add3A_114, %lt3A : i32
        %convert_element_type3A_118 = arith.extui %lt3A_117 : i1 to i32
        %cond3A_119 = arith.constant 0 : i32
        %cond3A_120 = arith.cmpi ne, %convert_element_type3A_118, %cond3A_119 : i32
        scf.if %cond3A_120 {
          %add3A_121 = arith.constant 16 : i32
          %add3A_122 = arith.addi %add3A_114, %add3A_121 : i32
          %lt3A_123 = arith.constant 25 : i32
          %lt3A_124 = arith.cmpi slt, %add3A_122, %lt3A_123 : i32
          %convert_element_type3A_125 = arith.extui %lt3A_124 : i1 to i32
          %cond3A_126 = arith.constant 0 : i32
          %cond3A_127 = arith.cmpi ne, %convert_element_type3A_125, %cond3A_126 : i32
          scf.if %cond3A_127 {
            %add3A_186 = arith.constant 1 : i32
            %add3A_187 = arith.addi %scan3A_111, %add3A_186 : i32
            %sub3A_188 = arith.constant 1 : i32
            %sub3A_189 = arith.subi %sub3A_188, %and3A_116 : i32
            %mul3A_190 = arith.constant 16 : i32
            %mul3A_191 = arith.muli %add3A_187, %mul3A_190 : i32
            %add3A_192 = arith.addi %mul3A_191, %arg1 : i32
            %mul3A_193 = arith.constant 6400 : i32
            %mul3A_194 = arith.muli %sub3A_189, %mul3A_193 : i32
            %jit3A_195 = arith.constant 5 : i32
            %div3A_196 = arith.divsi %add3A_192, %jit3A_195 : i32
            %sign3A_197 = arith.constant 0 : i32
            %sign3A_198 = arith.cmpi sgt, %add3A_192, %sign3A_197 : i32
            %sign3A_199 = arith.extui %sign3A_198 : i1 to i32
            %sign3A_200 = arith.constant 0 : i32
            %sign3A_201 = arith.cmpi slt, %add3A_192, %sign3A_200 : i32
            %sign3A_202 = arith.extui %sign3A_201 : i1 to i32
            %sign3A_203 = arith.subi %sign3A_199, %sign3A_202 : i32
            %sign3A_204 = arith.constant 0 : i32
            %sign3A_205 = arith.cmpi sgt, %jit3A_195, %sign3A_204 : i32
            %sign3A_206 = arith.extui %sign3A_205 : i1 to i32
            %sign3A_207 = arith.constant 0 : i32
            %sign3A_208 = arith.cmpi slt, %jit3A_195, %sign3A_207 : i32
            %sign3A_209 = arith.extui %sign3A_208 : i1 to i32
            %sign3A_210 = arith.subi %sign3A_206, %sign3A_209 : i32
            %ne3A_211 = arith.cmpi ne, %sign3A_203, %sign3A_210 : i32
            %rem3A_212 = arith.remsi %add3A_192, %jit3A_195 : i32
            %ne3A_213 = arith.constant 0 : i32
            %ne3A_214 = arith.cmpi ne, %rem3A_212, %ne3A_213 : i32
            %and3A_215 = arith.andi %ne3A_211, %ne3A_214 : i1
            %sub3A_216 = arith.constant 1 : i32
            %sub3A_217 = arith.subi %div3A_196, %sub3A_216 : i32
            %select_n3A_218 = arith.select %and3A_215, %sub3A_217, %div3A_196 : i32
            %rem3A_219 = arith.constant 5 : i32
            %rem3A_220 = arith.remsi %add3A_192, %rem3A_219 : i32
            %mul3A_221 = arith.constant 6400 : i32
            %mul3A_222 = arith.muli %rem3A_220, %mul3A_221 : i32
            %multiple_of3A_223 = tpu.assume_multiple %mul3A_222, 128 : i32
            %mul3A_224 = arith.constant 6400 : i32
            %mul3A_225 = arith.muli %add3A_192, %mul3A_224 : i32
            %multiple_of3A_226 = tpu.assume_multiple %mul3A_225, 128 : i32
            %dma_start3A_227 = arith.constant 0 : i32
            %dma_start3A_228 = arith.constant 0 : i32
            %dma_start3A_229 = tpu.memref_slice %arg10[%mul3A_194] : memref<12800xi32, #tpu.memory_space<vmem>> -> memref<6400xi32, #tpu.memory_space<vmem>>
            %dma_start3A_230 = tpu.memref_slice %arg3[%select_n3A_218, %dma_start3A_227, %multiple_of3A_223] : memref<5x1x32000xi32, #tpu.memory_space<hbm>> -> memref<1x1x6400xi32, #tpu.memory_space<hbm>>
            %dma_start3A_231 = tpu.memref_squeeze %dma_start3A_230 : memref<1x1x6400xi32, #tpu.memory_space<hbm>> -> memref<6400xi32, #tpu.memory_space<hbm>>
            %dma_start3A_232 = tpu.memref_slice %arg14[%sub3A_189, %dma_start3A_228] : memref<2x4x!tpu.dma_semaphore, #tpu.memory_space<semaphore_mem>> -> memref<1x1x!tpu.dma_semaphore, #tpu.memory_space<semaphore_mem>>
            %dma_start3A_233 = tpu.memref_squeeze %dma_start3A_232 : memref<1x1x!tpu.dma_semaphore, #tpu.memory_space<semaphore_mem>> -> memref<!tpu.dma_semaphore, #tpu.memory_space<semaphore_mem>>
            %dma_start3A_234 = tpu.memref_slice %arg10[%mul3A_194] : memref<12800xi32, #tpu.memory_space<vmem>> -> memref<6400xi32, #tpu.memory_space<vmem>>
            %dma_start3A_235 = tpu.memref_slice %arg3[%select_n3A_218, %dma_start3A_227, %multiple_of3A_223] : memref<5x1x32000xi32, #tpu.memory_space<hbm>> -> memref<1x1x6400xi32, #tpu.memory_space<hbm>>
            %dma_start3A_236 = tpu.memref_squeeze %dma_start3A_235 : memref<1x1x6400xi32, #tpu.memory_space<hbm>> -> memref<6400xi32, #tpu.memory_space<hbm>>
            tpu.enqueue_dma source(%dma_start3A_236 : memref<6400xi32, #tpu.memory_space<hbm>>) target(%dma_start3A_234 : memref<6400xi32, #tpu.memory_space<vmem>>) target_semaphore(%dma_start3A_233 : memref<!tpu.dma_semaphore, #tpu.memory_space<semaphore_mem>>)
            %dma_start3A_237 = arith.constant 1 : i32
            %dma_start3A_238 = tpu.memref_slice %arg11[%mul3A_194] : memref<12800xf32, #tpu.memory_space<vmem>> -> memref<6400xf32, #tpu.memory_space<vmem>>
            %dma_start3A_239 = tpu.memref_slice %arg4[%multiple_of3A_226] : memref<160000xf32, #tpu.memory_space<hbm>> -> memref<6400xf32, #tpu.memory_space<hbm>>
            %dma_start3A_240 = tpu.memref_slice %arg14[%sub3A_189, %dma_start3A_237] : memref<2x4x!tpu.dma_semaphore, #tpu.memory_space<semaphore_mem>> -> memref<1x1x!tpu.dma_semaphore, #tpu.memory_space<semaphore_mem>>
            %dma_start3A_241 = tpu.memref_squeeze %dma_start3A_240 : memref<1x1x!tpu.dma_semaphore, #tpu.memory_space<semaphore_mem>> -> memref<!tpu.dma_semaphore, #tpu.memory_space<semaphore_mem>>
            %dma_start3A_242 = tpu.memref_slice %arg11[%mul3A_194] : memref<12800xf32, #tpu.memory_space<vmem>> -> memref<6400xf32, #tpu.memory_space<vmem>>
            %dma_start3A_243 = tpu.memref_slice %arg4[%multiple_of3A_226] : memref<160000xf32, #tpu.memory_space<hbm>> -> memref<6400xf32, #tpu.memory_space<hbm>>
            tpu.enqueue_dma source(%dma_start3A_243 : memref<6400xf32, #tpu.memory_space<hbm>>) target(%dma_start3A_242 : memref<6400xf32, #tpu.memory_space<vmem>>) target_semaphore(%dma_start3A_241 : memref<!tpu.dma_semaphore, #tpu.memory_space<semaphore_mem>>)
          } else {
          }
          %mul3A_128 = arith.constant 16 : i32
          %mul3A_129 = arith.muli %scan3A_111, %mul3A_128 : i32
          %add3A_130 = arith.addi %mul3A_129, %arg1 : i32
          %mul3A_131 = arith.constant 6400 : i32
          %mul3A_132 = arith.muli %and3A_116, %mul3A_131 : i32
          %jit3A_133 = arith.constant 5 : i32
          %div3A_134 = arith.divsi %add3A_130, %jit3A_133 : i32
          %sign3A_135 = arith.constant 0 : i32
          %sign3A_136 = arith.cmpi sgt, %add3A_130, %sign3A_135 : i32
          %sign3A_137 = arith.extui %sign3A_136 : i1 to i32
          %sign3A_138 = arith.constant 0 : i32
          %sign3A_139 = arith.cmpi slt, %add3A_130, %sign3A_138 : i32
          %sign3A_140 = arith.extui %sign3A_139 : i1 to i32
          %sign3A_141 = arith.subi %sign3A_137, %sign3A_140 : i32
          %sign3A_142 = arith.constant 0 : i32
          %sign3A_143 = arith.cmpi sgt, %jit3A_133, %sign3A_142 : i32
          %sign3A_144 = arith.extui %sign3A_143 : i1 to i32
          %sign3A_145 = arith.constant 0 : i32
          %sign3A_146 = arith.cmpi slt, %jit3A_133, %sign3A_145 : i32
          %sign3A_147 = arith.extui %sign3A_146 : i1 to i32
          %sign3A_148 = arith.subi %sign3A_144, %sign3A_147 : i32
          %ne3A_149 = arith.cmpi ne, %sign3A_141, %sign3A_148 : i32
          %rem3A_150 = arith.remsi %add3A_130, %jit3A_133 : i32
          %ne3A_151 = arith.constant 0 : i32
          %ne3A_152 = arith.cmpi ne, %rem3A_150, %ne3A_151 : i32
          %and3A_153 = arith.andi %ne3A_149, %ne3A_152 : i1
          %sub3A_154 = arith.constant 1 : i32
          %sub3A_155 = arith.subi %div3A_134, %sub3A_154 : i32
          %select_n3A_156 = arith.select %and3A_153, %sub3A_155, %div3A_134 : i32
          %rem3A_157 = arith.constant 5 : i32
          %rem3A_158 = arith.remsi %add3A_130, %rem3A_157 : i32
          %mul3A_159 = arith.constant 6400 : i32
          %mul3A_160 = arith.muli %rem3A_158, %mul3A_159 : i32
          %multiple_of3A_161 = tpu.assume_multiple %mul3A_160, 128 : i32
          %mul3A_162 = arith.constant 6400 : i32
          %mul3A_163 = arith.muli %add3A_130, %mul3A_162 : i32
          %multiple_of3A_164 = tpu.assume_multiple %mul3A_163, 128 : i32
          %dma_wait3A = arith.constant 0 : i32
          %dma_wait3A_165 = arith.constant 0 : i32
          %dma_wait3A_166 = tpu.memref_slice %arg10[%mul3A_132] : memref<12800xi32, #tpu.memory_space<vmem>> -> memref<6400xi32, #tpu.memory_space<vmem>>
          %dma_wait3A_167 = tpu.memref_slice %arg3[%select_n3A_156, %dma_wait3A, %multiple_of3A_161] : memref<5x1x32000xi32, #tpu.memory_space<hbm>> -> memref<1x1x6400xi32, #tpu.memory_space<hbm>>
          %dma_wait3A_168 = tpu.memref_squeeze %dma_wait3A_167 : memref<1x1x6400xi32, #tpu.memory_space<hbm>> -> memref<6400xi32, #tpu.memory_space<hbm>>
          %dma_wait3A_169 = tpu.memref_slice %arg14[%and3A_116, %dma_wait3A_165] : memref<2x4x!tpu.dma_semaphore, #tpu.memory_space<semaphore_mem>> -> memref<1x1x!tpu.dma_semaphore, #tpu.memory_space<semaphore_mem>>
          %dma_wait3A_170 = tpu.memref_squeeze %dma_wait3A_169 : memref<1x1x!tpu.dma_semaphore, #tpu.memory_space<semaphore_mem>> -> memref<!tpu.dma_semaphore, #tpu.memory_space<semaphore_mem>>
          %dma_wait3A_171 = tpu.memref_slice %arg10[%mul3A_132] : memref<12800xi32, #tpu.memory_space<vmem>> -> memref<6400xi32, #tpu.memory_space<vmem>>
          %dma_wait3A_172 = tpu.memref_slice %arg3[%select_n3A_156, %dma_wait3A, %multiple_of3A_161] : memref<5x1x32000xi32, #tpu.memory_space<hbm>> -> memref<1x1x6400xi32, #tpu.memory_space<hbm>>
          %dma_wait3A_173 = tpu.memref_squeeze %dma_wait3A_172 : memref<1x1x6400xi32, #tpu.memory_space<hbm>> -> memref<6400xi32, #tpu.memory_space<hbm>>
          tpu.wait_dma2 semaphore(%dma_wait3A_170 : memref<!tpu.dma_semaphore, #tpu.memory_space<semaphore_mem>>) src(%dma_wait3A_173 : memref<6400xi32, #tpu.memory_space<hbm>>) dst(%dma_wait3A_171 : memref<6400xi32, #tpu.memory_space<vmem>>)
          %dma_wait3A_174 = arith.constant 1 : i32
          %dma_wait3A_175 = tpu.memref_slice %arg11[%mul3A_132] : memref<12800xf32, #tpu.memory_space<vmem>> -> memref<6400xf32, #tpu.memory_space<vmem>>
          %dma_wait3A_176 = tpu.memref_slice %arg4[%multiple_of3A_164] : memref<160000xf32, #tpu.memory_space<hbm>> -> memref<6400xf32, #tpu.memory_space<hbm>>
          %dma_wait3A_177 = tpu.memref_slice %arg14[%and3A_116, %dma_wait3A_174] : memref<2x4x!tpu.dma_semaphore, #tpu.memory_space<semaphore_mem>> -> memref<1x1x!tpu.dma_semaphore, #tpu.memory_space<semaphore_mem>>
          %dma_wait3A_178 = tpu.memref_squeeze %dma_wait3A_177 : memref<1x1x!tpu.dma_semaphore, #tpu.memory_space<semaphore_mem>> -> memref<!tpu.dma_semaphore, #tpu.memory_space<semaphore_mem>>
          %dma_wait3A_179 = tpu.memref_slice %arg11[%mul3A_132] : memref<12800xf32, #tpu.memory_space<vmem>> -> memref<6400xf32, #tpu.memory_space<vmem>>
          %dma_wait3A_180 = tpu.memref_slice %arg4[%multiple_of3A_164] : memref<160000xf32, #tpu.memory_space<hbm>> -> memref<6400xf32, #tpu.memory_space<hbm>>
          tpu.wait_dma2 semaphore(%dma_wait3A_178 : memref<!tpu.dma_semaphore, #tpu.memory_space<semaphore_mem>>) src(%dma_wait3A_180 : memref<6400xf32, #tpu.memory_space<hbm>>) dst(%dma_wait3A_179 : memref<6400xf32, #tpu.memory_space<vmem>>)
          %mul3A_181 = arith.constant 6400 : i32
          %mul3A_182 = arith.muli %and3A_116, %mul3A_181 : i32
          %parallel_loop3A_183 = arith.constant 0 : i32
          %parallel_loop3A_184 = arith.constant 400 : i32
          %parallel_loop3A_185 = arith.constant 1 : i32
          scf.for %parallel_loop3A_186 = %parallel_loop3A_183 to %parallel_loop3A_184 step %parallel_loop3A_185  : i32 {
            %parallel_loop3A_187 = arith.constant 16 : i32
            %parallel_loop3A_188 = arith.muli %parallel_loop3A_186, %parallel_loop3A_187 : i32
            %parallel_loop3A_189 = arith.addi %mul3A_182, %parallel_loop3A_188 : i32
            %parallel_loop3A_190 = arith.index_cast %parallel_loop3A_189 : i32 to index
            %parallel_loop3A_191 = tpu.vector_load %arg10[%parallel_loop3A_190] {strides = array<i32>} : memref<12800xi32, #tpu.memory_space<vmem>>, vector<16xi32>,
            %parallel_loop3A_192 = arith.constant 16383 : i32
            %parallel_loop3A_193 = vector.broadcast %parallel_loop3A_192 : i32 to vector<16xi32>
            %parallel_loop3A_194 = arith.andi %parallel_loop3A_191, %parallel_loop3A_193 : vector<16xi32>
            %parallel_loop3A_195 = tpu.vector_load_idx %arg6[%parallel_loop3A_194] : memref<10240xf32, #tpu.memory_space<vmem>>[vector<16xi32>], vector<16xf32>,
            %parallel_loop3A_196 = arith.constant 14 : i32
            %parallel_loop3A_197 = vector.broadcast %parallel_loop3A_196 : i32 to vector<16xi32>
            %parallel_loop3A_198 = arith.shrsi %parallel_loop3A_191, %parallel_loop3A_197 : vector<16xi32>
            %parallel_loop3A_199 = arith.index_cast %parallel_loop3A_189 : i32 to index
            %parallel_loop3A_200 = tpu.vector_load %arg11[%parallel_loop3A_199] {strides = array<i32>} : memref<12800xf32, #tpu.memory_space<vmem>>, vector<16xf32>,
            %parallel_loop3A_201 = arith.mulf %parallel_loop3A_195, %parallel_loop3A_200 : vector<16xf32>
            tpu.vector_store_idx %arg7[%parallel_loop3A_198], %parallel_loop3A_201 {add = true} : memref<10240xf32, #tpu.memory_space<vmem>>[vector<16xi32>], vector<16xf32>,
          } {sc.loop_unroll_factor = 4 : i64, sc.parallel_access}
        } else {
        }
      }
      %scan3A_83 = arith.constant 2 : i32
      "tpu.region"() ({
        %run_scoped3A = tpu.sem_alloc : memref<!tpu.dma_semaphore, #tpu.memory_space<semaphore_mem>>
        %dma_start3A_111 = arith.constant 0 : i32
        %dma_start3A_112 = tpu.memref_slice %arg13[%arg1, %dma_start3A_111] : memref<16x10240xf32, #tpu.memory_space<vmem_shared>> -> memref<1x10240xf32, #tpu.memory_space<vmem_shared>>
        %dma_start3A_113 = tpu.memref_squeeze %dma_start3A_112 : memref<1x10240xf32, #tpu.memory_space<vmem_shared>> -> memref<10240xf32, #tpu.memory_space<vmem_shared>>
        %dma_start3A_114 = arith.constant 0 : i32
        %dma_start3A_115 = tpu.memref_slice %arg13[%arg1, %dma_start3A_114] : memref<16x10240xf32, #tpu.memory_space<vmem_shared>> -> memref<1x10240xf32, #tpu.memory_space<vmem_shared>>
        %dma_start3A_116 = tpu.memref_squeeze %dma_start3A_115 : memref<1x10240xf32, #tpu.memory_space<vmem_shared>> -> memref<10240xf32, #tpu.memory_space<vmem_shared>>
        tpu.enqueue_dma source(%arg7 : memref<10240xf32, #tpu.memory_space<vmem>>) target(%dma_start3A_116 : memref<10240xf32, #tpu.memory_space<vmem_shared>>) target_semaphore(%run_scoped3A : memref<!tpu.dma_semaphore, #tpu.memory_space<semaphore_mem>>)
        %dma_wait3A = arith.constant 0 : i32
        %dma_wait3A_117 = tpu.memref_slice %arg13[%arg1, %dma_wait3A] : memref<16x10240xf32, #tpu.memory_space<vmem_shared>> -> memref<1x10240xf32, #tpu.memory_space<vmem_shared>>
        %dma_wait3A_118 = tpu.memref_squeeze %dma_wait3A_117 : memref<1x10240xf32, #tpu.memory_space<vmem_shared>> -> memref<10240xf32, #tpu.memory_space<vmem_shared>>
        %dma_wait3A_119 = arith.constant 0 : i32
        %dma_wait3A_120 = tpu.memref_slice %arg13[%arg1, %dma_wait3A_119] : memref<16x10240xf32, #tpu.memory_space<vmem_shared>> -> memref<1x10240xf32, #tpu.memory_space<vmem_shared>>
        %dma_wait3A_121 = tpu.memref_squeeze %dma_wait3A_120 : memref<1x10240xf32, #tpu.memory_space<vmem_shared>> -> memref<10240xf32, #tpu.memory_space<vmem_shared>>
        tpu.wait_dma2 semaphore(%run_scoped3A : memref<!tpu.dma_semaphore, #tpu.memory_space<semaphore_mem>>) src(%arg7 : memref<10240xf32, #tpu.memory_space<vmem>>) dst(%dma_wait3A_121 : memref<10240xf32, #tpu.memory_space<vmem_shared>>)
        tpu.yield
      }) : () -> ()
      %barrier3A_84 = arith.constant 0 : index
      tpu.barrier barrier_id(%barrier3A_84)
      %parallel_loop3A_85 = arith.constant 0 : i32
      %parallel_loop3A_86 = arith.constant 40 : i32
      %parallel_loop3A_87 = arith.constant 1 : i32
      scf.for %parallel_loop3A_111 = %parallel_loop3A_85 to %parallel_loop3A_86 step %parallel_loop3A_87  : i32 {
        %parallel_loop3A_112 = arith.constant 16 : i32
        %parallel_loop3A_113 = arith.muli %parallel_loop3A_111, %parallel_loop3A_112 : i32
        %parallel_loop3A_114 = arith.index_cast %parallel_loop3A_113 : i32 to index
        %parallel_loop3A_115 = tpu.vector_load %arg9[%parallel_loop3A_114] {strides = array<i32>} : memref<640xf32, #tpu.memory_space<vmem>>, vector<16xf32>,
        tpu.vector_store %arg9[%parallel_loop3A_114], %broadcast_in_dim3A_0 {strides = array<i32>} : memref<640xf32, #tpu.memory_space<vmem>>, vector<16xf32>,
      } {sc.loop_unroll_factor = 1 : i64, sc.parallel_access}
      %and3A_88 = arith.constant 0 : i32
      %and3A_89 = arith.constant 1 : i32
      %and3A_90 = arith.andi %and3A_88, %and3A_89 : i32
      %mul3A_91 = arith.constant 640 : i32
      %mul3A_92 = arith.muli %and3A_90, %mul3A_91 : i32
      %and3A_93 = arith.constant 0 : i32
      %and3A_94 = arith.constant 1 : i32
      %and3A_95 = arith.andi %and3A_93, %and3A_94 : i32
      %dma_start3A_96 = arith.constant 0 : i32
      %dma_start3A_97 = tpu.memref_slice %arg8[%mul3A_92] : memref<1280xf32, #tpu.memory_space<vmem>> -> memref<640xf32, #tpu.memory_space<vmem>>
      %dma_start3A_98 = tpu.memref_slice %arg13[%dma_start3A_96, %multiple_of3A] : memref<16x10240xf32, #tpu.memory_space<vmem_shared>> -> memref<1x640xf32, #tpu.memory_space<vmem_shared>>
      %dma_start3A_99 = tpu.memref_squeeze %dma_start3A_98 : memref<1x640xf32, #tpu.memory_space<vmem_shared>> -> memref<640xf32, #tpu.memory_space<vmem_shared>>
      %dma_start3A_100 = tpu.memref_slice %arg15[%and3A_95] : memref<2x!tpu.dma_semaphore, #tpu.memory_space<semaphore_mem>> -> memref<1x!tpu.dma_semaphore, #tpu.memory_space<semaphore_mem>>
      %dma_start3A_101 = tpu.memref_squeeze %dma_start3A_100 : memref<1x!tpu.dma_semaphore, #tpu.memory_space<semaphore_mem>> -> memref<!tpu.dma_semaphore, #tpu.memory_space<semaphore_mem>>
      %dma_start3A_102 = tpu.memref_slice %arg8[%mul3A_92] : memref<1280xf32, #tpu.memory_space<vmem>> -> memref<640xf32, #tpu.memory_space<vmem>>
      %dma_start3A_103 = tpu.memref_slice %arg13[%dma_start3A_96, %multiple_of3A] : memref<16x10240xf32, #tpu.memory_space<vmem_shared>> -> memref<1x640xf32, #tpu.memory_space<vmem_shared>>
      %dma_start3A_104 = tpu.memref_squeeze %dma_start3A_103 : memref<1x640xf32, #tpu.memory_space<vmem_shared>> -> memref<640xf32, #tpu.memory_space<vmem_shared>>
      tpu.enqueue_dma source(%dma_start3A_104 : memref<640xf32, #tpu.memory_space<vmem_shared>>) target(%dma_start3A_102 : memref<640xf32, #tpu.memory_space<vmem>>) target_semaphore(%dma_start3A_101 : memref<!tpu.dma_semaphore, #tpu.memory_space<semaphore_mem>>)
      %scan3A_105 = arith.constant 0 : i32
      %scan3A_106 = arith.constant 0 : i32
      %scan3A_107 = arith.constant 16 : i32
      %scan3A_108 = arith.addi %scan3A_106, %scan3A_107 : i32
      %scan3A_109 = arith.constant 1 : i32
      scf.for %scan3A_111 = %scan3A_106 to %scan3A_108 step %scan3A_109  : i32 {
        %add3A_112 = arith.constant 1 : i32
        %add3A_113 = arith.addi %scan3A_111, %add3A_112 : i32
        %lt3A = arith.constant 16 : i32
        %lt3A_114 = arith.cmpi slt, %add3A_113, %lt3A : i32
        %convert_element_type3A_115 = arith.extui %lt3A_114 : i1 to i32
        %cond3A_116 = arith.constant 0 : i32
        %cond3A_117 = arith.cmpi ne, %convert_element_type3A_115, %cond3A_116 : i32
        scf.if %cond3A_117 {
          %add3A_138 = arith.constant 1 : i32
          %add3A_139 = arith.addi %scan3A_111, %add3A_138 : i32
          %and3A_140 = arith.constant 1 : i32
          %and3A_141 = arith.andi %add3A_139, %and3A_140 : i32
          %mul3A_142 = arith.constant 640 : i32
          %mul3A_143 = arith.muli %and3A_141, %mul3A_142 : i32
          %and3A_144 = arith.constant 1 : i32
          %and3A_145 = arith.andi %add3A_139, %and3A_144 : i32
          %dma_start3A_146 = tpu.memref_slice %arg8[%mul3A_143] : memref<1280xf32, #tpu.memory_space<vmem>> -> memref<640xf32, #tpu.memory_space<vmem>>
          %dma_start3A_147 = tpu.memref_slice %arg13[%add3A_139, %multiple_of3A] : memref<16x10240xf32, #tpu.memory_space<vmem_shared>> -> memref<1x640xf32, #tpu.memory_space<vmem_shared>>
          %dma_start3A_148 = tpu.memref_squeeze %dma_start3A_147 : memref<1x640xf32, #tpu.memory_space<vmem_shared>> -> memref<640xf32, #tpu.memory_space<vmem_shared>>
          %dma_start3A_149 = tpu.memref_slice %arg15[%and3A_145] : memref<2x!tpu.dma_semaphore, #tpu.memory_space<semaphore_mem>> -> memref<1x!tpu.dma_semaphore, #tpu.memory_space<semaphore_mem>>
          %dma_start3A_150 = tpu.memref_squeeze %dma_start3A_149 : memref<1x!tpu.dma_semaphore, #tpu.memory_space<semaphore_mem>> -> memref<!tpu.dma_semaphore, #tpu.memory_space<semaphore_mem>>
          %dma_start3A_151 = tpu.memref_slice %arg8[%mul3A_143] : memref<1280xf32, #tpu.memory_space<vmem>> -> memref<640xf32, #tpu.memory_space<vmem>>
          %dma_start3A_152 = tpu.memref_slice %arg13[%add3A_139, %multiple_of3A] : memref<16x10240xf32, #tpu.memory_space<vmem_shared>> -> memref<1x640xf32, #tpu.memory_space<vmem_shared>>
          %dma_start3A_153 = tpu.memref_squeeze %dma_start3A_152 : memref<1x640xf32, #tpu.memory_space<vmem_shared>> -> memref<640xf32, #tpu.memory_space<vmem_shared>>
          tpu.enqueue_dma source(%dma_start3A_153 : memref<640xf32, #tpu.memory_space<vmem_shared>>) target(%dma_start3A_151 : memref<640xf32, #tpu.memory_space<vmem>>) target_semaphore(%dma_start3A_150 : memref<!tpu.dma_semaphore, #tpu.memory_space<semaphore_mem>>)
        } else {
        }
        %and3A_118 = arith.constant 1 : i32
        %and3A_119 = arith.andi %scan3A_111, %and3A_118 : i32
        %mul3A_120 = arith.constant 640 : i32
        %mul3A_121 = arith.muli %and3A_119, %mul3A_120 : i32
        %and3A_122 = arith.constant 1 : i32
        %and3A_123 = arith.andi %scan3A_111, %and3A_122 : i32
        %dma_wait3A = tpu.memref_slice %arg8[%mul3A_121] : memref<1280xf32, #tpu.memory_space<vmem>> -> memref<640xf32, #tpu.memory_space<vmem>>
        %dma_wait3A_124 = tpu.memref_slice %arg13[%scan3A_111, %multiple_of3A] : memref<16x10240xf32, #tpu.memory_space<vmem_shared>> -> memref<1x640xf32, #tpu.memory_space<vmem_shared>>
        %dma_wait3A_125 = tpu.memref_squeeze %dma_wait3A_124 : memref<1x640xf32, #tpu.memory_space<vmem_shared>> -> memref<640xf32, #tpu.memory_space<vmem_shared>>
        %dma_wait3A_126 = tpu.memref_slice %arg15[%and3A_123] : memref<2x!tpu.dma_semaphore, #tpu.memory_space<semaphore_mem>> -> memref<1x!tpu.dma_semaphore, #tpu.memory_space<semaphore_mem>>
        %dma_wait3A_127 = tpu.memref_squeeze %dma_wait3A_126 : memref<1x!tpu.dma_semaphore, #tpu.memory_space<semaphore_mem>> -> memref<!tpu.dma_semaphore, #tpu.memory_space<semaphore_mem>>
        %dma_wait3A_128 = tpu.memref_slice %arg8[%mul3A_121] : memref<1280xf32, #tpu.memory_space<vmem>> -> memref<640xf32, #tpu.memory_space<vmem>>
        %dma_wait3A_129 = tpu.memref_slice %arg13[%scan3A_111, %multiple_of3A] : memref<16x10240xf32, #tpu.memory_space<vmem_shared>> -> memref<1x640xf32, #tpu.memory_space<vmem_shared>>
        %dma_wait3A_130 = tpu.memref_squeeze %dma_wait3A_129 : memref<1x640xf32, #tpu.memory_space<vmem_shared>> -> memref<640xf32, #tpu.memory_space<vmem_shared>>
        tpu.wait_dma2 semaphore(%dma_wait3A_127 : memref<!tpu.dma_semaphore, #tpu.memory_space<semaphore_mem>>) src(%dma_wait3A_130 : memref<640xf32, #tpu.memory_space<vmem_shared>>) dst(%dma_wait3A_128 : memref<640xf32, #tpu.memory_space<vmem>>)
        %and3A_131 = arith.constant 1 : i32
        %and3A_132 = arith.andi %scan3A_111, %and3A_131 : i32
        %mul3A_133 = arith.constant 640 : i32
        %mul3A_134 = arith.muli %and3A_132, %mul3A_133 : i32
        %parallel_loop3A_135 = arith.constant 0 : i32
        %parallel_loop3A_136 = arith.constant 40 : i32
        %parallel_loop3A_137 = arith.constant 1 : i32
        scf.for %parallel_loop3A_138 = %parallel_loop3A_135 to %parallel_loop3A_136 step %parallel_loop3A_137  : i32 {
          %parallel_loop3A_139 = arith.constant 16 : i32
          %parallel_loop3A_140 = arith.muli %parallel_loop3A_138, %parallel_loop3A_139 : i32
          %parallel_loop3A_141 = arith.index_cast %parallel_loop3A_140 : i32 to index
          %parallel_loop3A_142 = tpu.vector_load %arg9[%parallel_loop3A_141] {strides = array<i32>} : memref<640xf32, #tpu.memory_space<vmem>>, vector<16xf32>,
          %parallel_loop3A_143 = arith.constant 16 : i32
          %parallel_loop3A_144 = arith.muli %parallel_loop3A_138, %parallel_loop3A_143 : i32
          %parallel_loop3A_145 = arith.addi %mul3A_134, %parallel_loop3A_144 : i32
          %parallel_loop3A_146 = arith.index_cast %parallel_loop3A_145 : i32 to index
          %parallel_loop3A_147 = tpu.vector_load %arg8[%parallel_loop3A_146] {strides = array<i32>} : memref<1280xf32, #tpu.memory_space<vmem>>, vector<16xf32>,
          %parallel_loop3A_148 = arith.addf %parallel_loop3A_142, %parallel_loop3A_147 : vector<16xf32>
          %parallel_loop3A_149 = arith.index_cast %parallel_loop3A_140 : i32 to index
          %parallel_loop3A_150 = tpu.vector_load %arg9[%parallel_loop3A_149] {strides = array<i32>} : memref<640xf32, #tpu.memory_space<vmem>>, vector<16xf32>,
          tpu.vector_store %arg9[%parallel_loop3A_149], %parallel_loop3A_148 {strides = array<i32>} : memref<640xf32, #tpu.memory_space<vmem>>, vector<16xf32>,
        } {sc.loop_unroll_factor = 4 : i64, sc.parallel_access}
      }
      %scan3A_110 = arith.constant 16 : i32
      "tpu.region"() ({
        %run_scoped3A = tpu.sem_alloc : memref<!tpu.dma_semaphore, #tpu.memory_space<semaphore_mem>>
        %dma_start3A_111 = tpu.memref_slice %arg5[%multiple_of3A] : memref<10240xf32, #tpu.memory_space<hbm>> -> memref<640xf32, #tpu.memory_space<hbm>>
        %dma_start3A_112 = tpu.memref_slice %arg5[%multiple_of3A] : memref<10240xf32, #tpu.memory_space<hbm>> -> memref<640xf32, #tpu.memory_space<hbm>>
        tpu.enqueue_dma source(%arg9 : memref<640xf32, #tpu.memory_space<vmem>>) target(%dma_start3A_112 : memref<640xf32, #tpu.memory_space<hbm>>) target_semaphore(%run_scoped3A : memref<!tpu.dma_semaphore, #tpu.memory_space<semaphore_mem>>)
        %dma_wait3A = tpu.memref_slice %arg5[%multiple_of3A] : memref<10240xf32, #tpu.memory_space<hbm>> -> memref<640xf32, #tpu.memory_space<hbm>>
        %dma_wait3A_113 = tpu.memref_slice %arg5[%multiple_of3A] : memref<10240xf32, #tpu.memory_space<hbm>> -> memref<640xf32, #tpu.memory_space<hbm>>
        tpu.wait_dma2 semaphore(%run_scoped3A : memref<!tpu.dma_semaphore, #tpu.memory_space<semaphore_mem>>) src(%arg9 : memref<640xf32, #tpu.memory_space<vmem>>) dst(%dma_wait3A_113 : memref<640xf32, #tpu.memory_space<hbm>>)
        tpu.yield
      }) : () -> ()
    } else {
    }
    return
  }
}

module attributes {stable_mosaic.version = 14 : i64} {
  func.func @_dense_body(%arg0: i32, %arg1: memref<2048x256xf32, #tpu.memory_space<vmem>>, %arg2: memref<64x256xf32, #tpu.memory_space<vmem>>, %arg3: memref<64x1xf32, #tpu.memory_space<vmem>>, %arg4: memref<2x32000xi32, #tpu.memory_space<vmem>>, %arg5: memref<32x2048xi32, #tpu.memory_space<vmem>>, %arg6: memref<1x1x32000xi32, #tpu.memory_space<vmem>>) attributes {dimension_semantics = [#tpu.dimension_semantics<arbitrary>], iteration_bounds = array<i64: 5>, scalar_prefetch = 0 : i64, scratch_operands = 0 : i64, tpu.core_type = #tpu.core_type<tc>, window_params = [{transform_indices = @transform_0, window_bounds = array<i64: 2048, 256>}, {pipeline_mode = #tpu.pipeline_mode<synchronous>, transform_indices = @transform_1, window_bounds = array<i64: 64, 256>}, {pipeline_mode = #tpu.pipeline_mode<synchronous>, transform_indices = @transform_2, window_bounds = array<i64: 64, 1>}, {transform_indices = @transform_3, window_bounds = array<i64: 2, 32000>}, {transform_indices = @transform_4, window_bounds = array<i64: 32, 2048>}, {transform_indices = @transform_5, window_bounds = array<i64: 1, 1, 32000>}]} {
    %get3A = arith.constant 0 : index
    %get3A_0 = arith.constant 0 : index
    %get3A_1 = vector.load %arg2[%get3A, %get3A_0] : memref<64x256xf32, #tpu.memory_space<vmem>>, vector<64x256xf32>
    %get3A_2 = arith.constant 0 : index
    %get3A_3 = arith.constant 0 : index
    %get3A_4 = vector.load %arg1[%get3A_2, %get3A_3] : memref<2048x256xf32, #tpu.memory_space<vmem>>, vector<2048x256xf32>
    %dot_general3A = arith.constant dense<0.000000e+00> : vector<64x2048xf32>
    %dot_general3A_5 = tpu.matmul %get3A_1, %get3A_4, %dot_general3A {dimension_numbers = #tpu.dot_dimension_numbers<[1], [1], [0], [0], [0, 0, 1, 0], [], []>, transpose_lhs_hint = false} : vector<64x256xf32>, vector<2048x256xf32>, vector<64x2048xf32> -> vector<64x2048xf32>
    %get3A_6 = arith.constant 0 : index
    %get3A_7 = arith.constant 0 : index
    %get3A_8 = vector.load %arg3[%get3A_6, %get3A_7] : memref<64x1xf32, #tpu.memory_space<vmem>>, vector<64x1xf32>
    %add3A = vector.broadcast %get3A_8 : vector<64x1xf32> to vector<64x2048xf32>
    %add3A_9 = arith.addf %dot_general3A_5, %add3A : vector<64x2048xf32>
    %slice3A = vector.extract_strided_slice %add3A_9 {offsets = [0, 0], sizes = [32, 2048], strides = [1, 1]} : vector<64x2048xf32> to vector<32x2048xf32>
    %convert_element_type3A = arith.truncf %slice3A : vector<32x2048xf32> to vector<32x2048xbf16>
    %bitcast_convert_type3A = tpu.bitcast %convert_element_type3A : vector<32x2048xbf16> -> vector<32x2048xi16>
    %convert_element_type3A_10 = arith.extui %bitcast_convert_type3A : vector<32x2048xi16> to vector<32x2048xi32>
    %slice3A_11 = vector.extract_strided_slice %add3A_9 {offsets = [32, 0], sizes = [32, 2048], strides = [1, 1]} : vector<64x2048xf32> to vector<32x2048xf32>
    %convert_element_type3A_12 = arith.truncf %slice3A_11 : vector<32x2048xf32> to vector<32x2048xbf16>
    %bitcast_convert_type3A_13 = tpu.bitcast %convert_element_type3A_12 : vector<32x2048xbf16> -> vector<32x2048xi16>
    %convert_element_type3A_14 = arith.extui %bitcast_convert_type3A_13 : vector<32x2048xi16> to vector<32x2048xi32>
    %shift_left3A = arith.constant 16 : i32
    %shift_left3A_15 = vector.broadcast %shift_left3A : i32 to vector<32x2048xi32>
    %shift_left3A_16 = arith.shli %convert_element_type3A_10, %shift_left3A_15 : vector<32x2048xi32>
    %or3A = arith.ori %shift_left3A_16, %convert_element_type3A_14 : vector<32x2048xi32>
    %swap3A = arith.constant 0 : index
    %swap3A_17 = arith.constant 0 : index
    %swap3A_18 = vector.load %arg5[%swap3A, %swap3A_17] : memref<32x2048xi32, #tpu.memory_space<vmem>>, vector<32x2048xi32>
    tpu.vector_store %arg5[%swap3A, %swap3A_17], %or3A {strides = array<i32>} : memref<32x2048xi32, #tpu.memory_space<vmem>>, vector<32x2048xi32>,
    %get3A_19 = arith.constant 0 : index
    %get3A_20 = arith.constant 0 : index
    %get3A_21 = vector.load %arg4[%get3A_19, %get3A_20] : memref<2x32000xi32, #tpu.memory_space<vmem>>, vector<1x32000xi32>
    %get3A_22 = arith.constant 1 : index
    %get3A_23 = arith.constant 0 : index
    %get3A_24 = vector.load %arg4[%get3A_22, %get3A_23] : memref<2x32000xi32, #tpu.memory_space<vmem>>, vector<1x32000xi32>
    %shift_left3A_25 = arith.constant 14 : i32
    %shift_left3A_26 = vector.broadcast %shift_left3A_25 : i32 to vector<1x32000xi32>
    %shift_left3A_27 = arith.shli %get3A_21, %shift_left3A_26 : vector<1x32000xi32>
    %or3A_28 = arith.ori %shift_left3A_27, %get3A_24 : vector<1x32000xi32>
    %broadcast_in_dim3A = vector.shape_cast %or3A_28 : vector<1x32000xi32> to vector<1x1x32000xi32>
    %swap3A_29 = arith.constant 0 : index
    %swap3A_30 = arith.constant 0 : index
    %swap3A_31 = arith.constant 0 : index
    %swap3A_32 = vector.load %arg6[%swap3A_29, %swap3A_30, %swap3A_31] : memref<1x1x32000xi32, #tpu.memory_space<vmem>>, vector<1x1x32000xi32>
    tpu.vector_store %arg6[%swap3A_29, %swap3A_30, %swap3A_31], %broadcast_in_dim3A {strides = array<i32>} : memref<1x1x32000xi32, #tpu.memory_space<vmem>>, vector<1x1x32000xi32>,
    return
  }
  func.func @transform_0(%arg0: i32) -> (i32, i32) {
    %c0_i32 = arith.constant 0 : i32
    %c0_i32_0 = arith.constant 0 : i32
    return %arg0, %c0_i32 : i32, i32
  }
  func.func @transform_1(%arg0: i32) -> (i32, i32) {
    %c0_i32 = arith.constant 0 : i32
    %c0_i32_0 = arith.constant 0 : i32
    %c0_i32_1 = arith.constant 0 : i32
    return %c0_i32, %c0_i32_0 : i32, i32
  }
  func.func @transform_2(%arg0: i32) -> (i32, i32) {
    %c0_i32 = arith.constant 0 : i32
    %c0_i32_0 = arith.constant 0 : i32
    %c0_i32_1 = arith.constant 0 : i32
    return %c0_i32, %c0_i32_0 : i32, i32
  }
  func.func @transform_3(%arg0: i32) -> (i32, i32) {
    %c0_i32 = arith.constant 0 : i32
    %c0_i32_0 = arith.constant 0 : i32
    return %c0_i32, %arg0 : i32, i32
  }
  func.func @transform_4(%arg0: i32) -> (i32, i32) {
    %c0_i32 = arith.constant 0 : i32
    %c0_i32_0 = arith.constant 0 : i32
    return %c0_i32, %arg0 : i32, i32
  }
  func.func @transform_5(%arg0: i32) -> (i32, i32, i32) {
    %c0_i32 = arith.constant 0 : i32
    %c0_i32_0 = arith.constant 0 : i32
    %c0_i32_1 = arith.constant 0 : i32
    return %arg0, %c0_i32, %c0_i32_0 : i32, i32, i32
  }
}

</mosaic_0001>

<sc_bundles>
// kernel: kernel.5.cloned.1.call-start
scs
__scs_entry_jumppad:
0x0: {  	(pc) =	sbr.rel $0x88, $3  }
0x1: {  	(tag) =	ssettag $0x0;
	lr =	simm.s32 $0x1  }
0x2: {  	[smem:$0x3F98] =	sst lr;
	_ =	strace $0xD0000000  }
0x3: {  	_ = 	snop  }
0x4: {  	_ = 	snop  }
0x5: {  	_ = 	snop  }
0x6: {  	_ = 	snop  }
0x7: {  	_ = 	snop  }
__scs_overlays_trampoline_lowered:
0x8: {  	[smem:$0x3FA7] =	sst s0  }
0x9: {  	[smem:$0x3FA8] =	sst s1  }
0xa: {  	[smem:$0x3FA9] =	sst s2  }
0xb: {  	[smem:$0x3FAA] =	sst s3  }
0xc: {  	[smem:$0x3FAB] =	sst s4  }
0xd: {  	[smem:$0x3FAC] =	sst s5  }
0xe: {  	[smem:$0x3FAD] =	sst s6  }
0xf: {  	[smem:$0x3FAE] =	sst s7  }
0x10: {  	[smem:$0x3FAF] =	sst s8  }
0x11: {  	[smem:$0x3FB0] =	sst s9;
	s0 =	simm.s32 @!p0 $0x0  }
0x12: {  	s1 =	sld [smem:$0x3F96];
	s0 =	simm.s32 @p0 $0x1  }
0x13: {  	[smem:$0x3FB1] =	sst s0;
	s0 =	simm.s32 @!p1 $0x0  }
0x14: {  	s2 =	sld [smem:$0x3F95];
	s0 =	simm.s32 @p1 $0x1  }
0x15: {  	[smem:$0x3FB2] =	sst s0;
	s0 =	simm.s32 @!p2 $0x0  }
0x16: {  	s3 =	sld [smem:$0x3FDB];
	s0 =	simm.s32 @p2 $0x1  }
0x17: {  	s4 =	simm.s32 $0x1BF5;
	[smem:$0x3FB4] =	sst s0  }
0x18: {  	s0 =	sld [smem:$0x3F97];
	_ =	swait.ge [sflag:s4], $0x0  }
0x19: {  	s7 =	sld [smem:$0x3F98]  }
0x1a: {  	s8 =	sadd.s32 $0xFFFFE003, lr  }
0x1b: {  	s9 =	sadd.s32 $0xFFFFFEF7, lr;
	s5 =	simm.s32 $0xFFFFFFFF;
	p2 =	slt.u32 s8, $0xFFFFF086  }
0x1c: {  	p1 =	slt.u32 s9, $0xF7A;
	s5 =	simm.s32 @!p2 $0x0  }
0x1d: {  	s5 =	simm.s32 @p1 $0x1;
	p0 =	seq.s32 s7, s2  }
0x1e: {  	s7 =	smul.u32 @!p0 $0xF7A, s2;
	p2 =	seq.s32 @!p0 s5, $0x0  }
0x1f: {  	s9 =	smul.u32 $0xF7A, s1;
	s8 =	simm.s32 @!p0 $0x1BF5;
	p2 =	por !p2, p0  }
0x20: {  	[sflag:s8] =	ssyncset.s32 @!p0 $0xFFFFF086;
	s6 =	sadd.s32 @!p0 s3, s7;
	s7 =	simm.s32 @!p0 $0x108  }
0x21: {  	s3 =	sadd.s32 s3, s9;
	s6 =	sadd.s32 @!p0 $0x88, s6;
	s7 =	simm.s32 @p2 $0x1082  }
0x22: {  	[simem:s7], [sflag:s8] =	dma.local @!p0 [hbm:s6], $0xF7A  }
0x23: {  	s9 =	sor.u32 $0xD0000000, s2;
	s6 =	simm.s32 $0x108;
	_ =	swait.ge @!p0 [sflag:s8], $0x0  }
0x24: {  	s3 =	sadd.s32 $0x88, s3;
	s6 =	simm.s32 @!p1 $0x1082;
	[sflag:s4] =	ssyncset.s32 $0xFFFFF086  }
0x25: {  	[simem:s6], [sflag:s4] =	dma.local [hbm:s3], $0xF7A  }
0x26: {  	[smem:$0x3F98] =	sst s1;
	(tag) =	ssettag s2;
	_ =	strace s9  }
0x27: {  	s1 =	sld [smem:$0x3FA8]  }
0x28: {  	s2 =	sld [smem:$0x3FA9]  }
0x29: {  	s4 =	sld [smem:$0x3FAB]  }
0x2a: {  	p0 =	seq.s32 s5, $0x0;
	s5 =	sld [smem:$0x3FAC]  }
0x2b: {  	s6 =	sld [smem:$0x3FAD]  }
0x2c: {  	s7 =	sld [smem:$0x3FAE]  }
0x2d: {  	s3 =	simm.s32 $0x108;
	s8 =	sld [smem:$0x3FAF]  }
0x2e: {  	s3 =	simm.s32 @!p0 $0x1082;
	s9 =	sld [smem:$0x3FB0]  }
0x2f: {  	lr =	sadd.s32 s0, s3;
	s0 =	sld [smem:$0x3FA7]  }
0x30: {  	s3 =	sld [smem:$0x3FAA]  }
0x31: {  	[smem:$0x3FB3] =	sst s10  }
0x32: {  	s10 =	sld [smem:$0x3FB1];
	_ =	sdelay $0x3  }
0x33: {  	p0 =	seq.s32 s10, $0x1;
	s10 =	sld [smem:$0x3FB3];
	_ =	sdelay $0x3  }
0x34: {  	[smem:$0x3FB3] =	sst s10  }
0x35: {  	s10 =	sld [smem:$0x3FB2];
	_ =	sdelay $0x3  }
0x36: {  	p1 =	seq.s32 s10, $0x1;
	s10 =	sld [smem:$0x3FB3];
	_ =	sdelay $0x3  }
0x37: {  	[smem:$0x3FB3] =	sst s10  }
0x38: {  	s10 =	sld [smem:$0x3FB4]  }
0x39: {  	_ = 	snop;
	(pc) =	sbr.ind lr, $3  }
0x3a: {  	_ = 	snop  }
0x3b: {  	_ = 	snop  }
0x3c: {  	p2 =	seq.s32 s10, $0x1;
	s10 =	sld [smem:$0x3FB3]  }
0x3d: {  	_ =	shalt  }
0x3e: {  	_ =	shalt  }
0x3f: {  	_ =	shalt  }
0x40: {  	_ =	shalt  }
0x41: {  	_ =	shalt  }
0x42: {  	_ =	shalt  }
0x43: {  	_ =	shalt  }
0x44: {  	_ =	shalt  }
0x45: {  	_ =	shalt  }
0x46: {  	_ =	shalt  }
0x47: {  	_ =	shalt  }
0x48: {  	_ =	shalt  }
0x49: {  	_ =	shalt  }
0x4a: {  	_ =	shalt  }
0x4b: {  	_ =	shalt  }
0x4c: {  	_ =	shalt  }
0x4d: {  	_ =	shalt  }
0x4e: {  	_ =	shalt  }
0x4f: {  	_ =	shalt  }
0x50: {  	_ =	shalt  }
0x51: {  	_ =	shalt  }
0x52: {  	_ =	shalt  }
0x53: {  	_ =	shalt  }
0x54: {  	_ =	shalt  }
0x55: {  	_ =	shalt  }
0x56: {  	_ =	shalt  }
0x57: {  	_ =	shalt  }
0x58: {  	_ =	shalt  }
0x59: {  	_ =	shalt  }
0x5a: {  	_ =	shalt  }
0x5b: {  	_ =	shalt  }
0x5c: {  	_ =	shalt  }
0x5d: {  	_ =	shalt  }
0x5e: {  	_ =	shalt  }
0x5f: {  	_ =	shalt  }
0x60: {  	_ =	shalt  }
0x61: {  	_ =	shalt  }
0x62: {  	_ =	shalt  }
0x63: {  	_ =	shalt  }
0x64: {  	_ =	shalt  }
0x65: {  	_ =	shalt  }
0x66: {  	_ =	shalt  }
0x67: {  	_ =	shalt  }
0x68: {  	_ =	shalt  }
0x69: {  	_ =	shalt  }
0x6a: {  	_ =	shalt  }
0x6b: {  	_ =	shalt  }
0x6c: {  	_ =	shalt  }
0x6d: {  	_ =	shalt  }
0x6e: {  	_ =	shalt  }
0x6f: {  	_ =	shalt  }
0x70: {  	_ =	shalt  }
0x71: {  	_ =	shalt  }
0x72: {  	_ =	shalt  }
0x73: {  	_ =	shalt  }
0x74: {  	_ =	shalt  }
0x75: {  	_ =	shalt  }
0x76: {  	_ =	shalt  }
0x77: {  	_ =	shalt  }
0x78: {  	_ =	shalt  }
0x79: {  	_ =	shalt  }
0x7a: {  	_ =	shalt  }
0x7b: {  	_ =	shalt  }
0x7c: {  	_ =	shalt  }
0x7d: {  	_ =	shalt  }
0x7e: {  	_ =	shalt  }
0x7f: {  	_ =	shalt  }
0x80: {  	_ =	shalt  }
0x81: {  	_ =	shalt  }
0x82: {  	_ =	shalt  }
0x83: {  	_ =	shalt  }
0x84: {  	_ =	shalt  }
0x85: {  	_ =	shalt  }
0x86: {  	_ =	shalt  }
0x87: {  	_ =	shalt  }
.Lfunc_end0:
.L_simem_size_0:
called_computation_lowered:
.L_overlay_start_0:
0x88: {  	s2 =	sld [smem:$0x3FD9]  }
0x89: {  	s3 =	sld [smem:$0x3FFE];
	_ =	sdelay $0x1  }
0x8a: {  	s1 =	srdreg.scid  }
0x8b: {  	s0 =	sand.u32 $0x1, s1  }
0x8c: {  	s17 =	sshll.u32 s0, $0xA;
	s2 =	sadd.s32 s3, s2  }
0x8d: {  	s2 =	sadd.s32 s2, s17  }
0x8e: {  	[smem:$0x3FBF] =	sst s2  }
0x8f: {  	_ = 	snop  }
0x90: {  	s2 =	sld [smem:$0x3FC7]  }
0x91: {  	s18 =	sld [smem:$0x3FC4]  }
0x92: {  	s4 =	sld [smem:$0x3FC3]  }
0x93: {  	s5 =	sld [smem:$0x3FC2]  }
0x94: {  	s6 =	sld [smem:$0x3FC1];
	(tm) =	ssettm $0x1  }
0x95: {  	s7 =	sld [smem:$0x3FFB];
	_ =	sdelay $0x3  }
0x96: {  	_ =	strace s7  }
0x97: {  	s7 =	sld [smem:$0x3FFC];
	_ =	sdelay $0x3  }
0x98: {  	_ =	strace s7  }
0x99: {  	s7 =	sld [smem:$0x3FFD];
	_ =	sdelay $0x3  }
0x9a: {  	_ =	strace s7  }
0x9b: {  	_ =	strace $0x8FFFFFFF  }
0x9c: {  	s19 =	sld [smem:$0x3FDB];
	_ =	sdelay $0x1  }
0x9d: {  	s8 =	simm.s32 $_scs_section_size  }
0x9e: {  	s9 =	simm.s32 $_size__tile_overlayer_lowered;
	s10 =	simm.s32 $_tile_overlayer_lowered  }
0x9f: {  	s22 =	simm.s32 $0x1BFF;
	s21 =	sshll.u32 s10, $0x1;
	s7 =	sadd.s32 s8, s19  }
0xa0: {  	s11 =	simm.s32 $0x0;
	s20 =	sshll.u32 s9, $0x1;
	s9 =	sadd.s32 s21, s7  }
0xa1: {  	[timem:s11], [sflag:s22] =	dma.local [hbm:s9], s20  }
0xa2: {  	_ =	swait.ge [sflag:s22], s20  }
0xa3: {  	s8 =	ssub.s32 $0x0, s20;
	[sflag:s22] =	ssyncset.done $0x0  }
0xa4: {  	[sflag:s22] =	ssyncadd.s32 s8;
	_ =	sdelay $0x1  }
0xa5: {  	s23 =	simm.s32 $0x1B8B  }
0xa6: {  	_ =	swait.ge [sflag:s23], $0x1  }
0xa7: {  	[sflag:s23] =	ssyncset.done $0x0  }
0xa8: {  	s25 =	simm.s32 $0x1B8E;
	s24 =	sld [smem:$0x3FFE];
	[sflag:s23] =	ssyncadd.s32 $0xFFFFFFFF  }
0xa9: {  	s26 =	simm.s32 $execute0_lowered;
	[smem:$0x3FD2] =	sst s25  }
0xaa: {  	s9 =	sshll.u32 s26, $0x1;
	_ =	strace $0x80000046;
	[dreg:$0x1] =	wrdreg $0xFFFFFFFF  }
0xab: {  	s28 =	simm.s32 $_size_execute0_lowered;
	s7 =	sadd.s32 s7, s9;
	[dreg:$0x0] =	wrdreg $0x0  }
0xac: {  	s9 =	sshll.u32 s28, $0x1;
	[dreg:$0x2] =	wrdreg s7  }
0xad: {  	[dreg:$0x3] =	wrdreg s9  }
0xae: {  	[dreg:$0x4] =	wrdreg $0xC0  }
0xaf: {  	_ =	task [dreg:s11], $0x5FFFF  }
0xb0: {  	[dreg:$0x1] =	wrdreg $0xFFFFFFFF  }
0xb1: {  	[dreg:$0x0] =	wrdreg $0x60  }
0xb2: {  	[dreg:$0x2] =	wrdreg s24  }
0xb3: {  	[dreg:$0x3] =	wrdreg s2  }
0xb4: {  	[dreg:$0x4] =	wrdreg s18  }
0xb5: {  	[dreg:$0x5] =	wrdreg s4  }
0xb6: {  	[dreg:$0x6] =	wrdreg s5  }
0xb7: {  	[dreg:$0x7] =	wrdreg s6  }
0xb8: {  	[dreg:$0x8] =	wrdreg $0x9  }
0xb9: {  	_ =	task.clear_ibuf [dreg:s11], $0x9FFFF;
	_ =	strace $0x90000046  }
0xba: {  	s29 =	simm.s32 $0x9;
	_ =	strace $0x80000048  }
0xbb: {  	_ =	swait.ge [sflag:s29], $0x1  }
0xbc: {  	[sflag:s29] =	ssyncadd.s32 $0xFFFFFFFF  }
0xbd: {  	_ =	strace $0x90000048  }
0xbe: {  	_ =	sfence  }
0xbf: {  	s30 =	sld [smem:$0x0];
	_ =	sdelay $0x2  }
0xc0: {  	s31 =	sshll.u32 s1, $0xD;
	s1 =	sshrl.u32 s1, $0x2  }
0xc1: {  	s3 =	sand.u32 $0x4000, s31;
	s1 =	sadd.s32 s1, s30  }
0xc2: {  	s0 =	sor.u32 s3, s0;
	s1 =	sshll.u32 s1, $0x11  }
0xc3: {  	s0 =	sor.u32 s1, s0  }
0xc4: {  	s0 =	sadd.s32 $0x8F2B, s0  }
0xc5: {  	[sflag:s0] =	ssyncadd.remote.s32 $0x1  }
0xc6: {  	_ =	sfence.sel $0xFFFF  }
0xc7: {  	[dreg:$0x0] =	wrdreg $0xFFFFFFFF;
	(pc) =	sbr.abs _section_cstart, $3  }
0xc8: {  	[dreg:$0x1] =	wrdreg $0xFFFFFFFF  }
0xc9: {  	_ =	task.clear_ibuf [dreg:s11], $0x2FFFF;
	_ =	strace $0x9FFFFFFF  }
0xca: {  	(tm) =	ssettm $0x7FFFFFFF  }
0xcb: {  	_ =	shalt  }
tec
execute0_lowered:
.L_overlay_start_1:
0x0: {  	(tag) =	ssettag $0x1  }
0x1: {  	s0 =	rddreg [dreg:$0x0]  }
0x2: {  	s1 =	rddreg [dreg:$0x1]  }
0x3: {  	s2 =	srdreg.scid;
	s4 =	stileid.u32;
	s8 =	simm.s32 $0x0  }
0x4: {  	s16 =	simm.s32 $0x80;
	s17 =	simm.s32 $0x400;
	s21 =	simm.s32 $0x19A00  }
0x5: {  	s22 =	simm.s32 $0xB;
	s23 =	simm.s32 $0x19A80;
	s28 =	simm.s32 $0xA  }
0x6: {  	s29 =	simm.s32 $0x2800;
	s2 =	sand.u32 $0x1, s2;
	s3 =	sshll.u32 s4, $0x1  }
0x7: {  	s30 =	simm.s32 $0x5000;
	[smem:$0x7FF] =	sst s8;
	s7 =	sor.u32 s2, s3  }
0x8: {  	s4 =	sshrl.u32 s4, $0x2;
	s6 =	sadd.s32 $0x6200, s0;
	s3 =	smul.u32 $0x1A, s7  }
0x9: {  	s9 =	sadd.s32 $0x1200, s0;
	s4 =	smul.u32 $0x14000, s4;
	_ =	strace $0x80000047  }
0xa: {  	s2 =	ssub.s32 $0x2, s2;
	s5 =	sshll.u32 s7, $0x7;
	s3 =	sshrl.u32 s3, $0x8  }
0xb: {  	s10 =	sshrl.u32 s2, $0x1;
	s26 =	sshll.u32 s7, $0x1;
	s3 =	smul.u32 $0xA, s3  }
0xc: {  	s31 =	sshllo.u32 s7, $0x1;
	s5 =	sand.u32 $0x380, s5;
	s2 =	ssub.s32 s2, s10  }
0xd: {  	v2 =	vmov s26;
	s26 =	simm.s32 $0x9;
	s4 =	sor.u32 s4, s5;
	s3 =	ssub.s32 s7, s3  }
0xe: {  	s15 =	smax.u32 s2, $0x1;
	s5 =	sshrl.u32 s4, $0x3;
	s12 =	sand.u32 $0xFF, s3  }
0xf: {  	s4 =	sadd.s32 $0xA000, s4;
	s3 =	sand.u32 $0x1, s3;
	s24 =	sshrl.u32 s12, $0x1  }
0x10: {  	p0 =	seq.s32 s3, $0x1;
	s3 =	simm.s32 $0x3E80;
	s11 =	smul.u32 $0x7D00, s24  }
0x11: {  	s0 =	sadd.s32 s5, s0;
	s5 =	sadd.s32 s6, s5;
	s3 =	simm.s32 @!p0 $0x0  }
0x12: {  	s4 =	sshrl.u32 s4, $0x3;
	[dreg:$0x7] =	wrdreg s5;
	s3 =	sadd.s32 s3, s11  }
0x13: {  	s14 =	sadd.s32 $0x10200, s0;
	s25 =	smul.u32 $0x7D0, s12;
	s3 =	sshrl.u32 s3, $0x3  }
0x14: {  	p0 =	seq.s32 s7, $0x0;
	s12 =	sadd.s32 s9, s3;
	s3 =	simm.f32 $1.000000000e+00  }
0x15: {  	v3 =	vimm.f32 $0.0e+00;
	s24 =	simm.s32 $0x19B00;
	s13 =	sadd.s32 s1, s25;
	s3 =	simm.s32 @!p0 $0x0  }
0x16: {  	v0 =	vmov s31;
	v2 =	vbroadcast v2, $0x0;
	s25 =	simm.s32 $0x19B80;
	s11 =	sadd.s32 s6, s4;
	s4 =	simm.s32 $0x0;
	v1 =	vmov s3  }
.LBB2_1:
0x17: {  	s0 =	rddreg [dreg:$0x7]  }
0x18: {  	[tilespmem:s8], [sflag:$0x9] =	stream.strided.gather [hbm4b:s0+s16], $0x1400, s17, s16, $0x38;
	[tilespmem:$0x19C00] =	vst v63  }
0x19: {  	s5 =	simm.s32 $0x1400  }
0x1a: {  	[tilespmem:s5], [sflag:$0xA] =	stream.strided.gather [hbm4b:s11+s16], $0x1400, s17, s16, $0x38;
	[tilespmem:$0x19C00] =	vst v63  }
0x1b: {  	s6 =	simm.s32 $0xA000  }
0x1c: {  	[tilespmem:s6], [sflag:$0x1] =	stream.linear.gather [hbm4b:s12+s8], $0x3E80, $0x38;
	[tilespmem:$0x19C00] =	vst v63  }
0x1d: {  	s10 =	simm.s32 $0x11D00  }
0x1e: {  	[tilespmem:s10], [sflag:$0x2] =	stream.linear.gather [hbm4b:s13+s8], $0x3E80, $0x38;
	[tilespmem:$0x19C00] =	vst v63  }
0x1f: {  	s18 =	rddreg [dreg:$0x2]  }
0x20: {  	[tilespmem:s21], [sflag:$0xB] =	stream.linear.gather [hbm4b:s18+s8], $0x80, $0x38;
	[tilespmem:$0x19C00] =	vst v63  }
0x21: {  	_ =	swait.ge [sflag:s22], $0x80  }
0x22: {  	[sflag:s22] =	ssyncset.done $0x0  }
0x23: {  	[sflag:s22] =	ssyncadd.s32 $0xFFFFFF80  }
0x24: {  	s19 =	rddreg [dreg:$0x3]  }
0x25: {  	[tilespmem:s23], [sflag:$0xB] =	stream.linear.gather [hbm4b:s19+s8], $0x80, $0x38;
	[tilespmem:$0x19C00] =	vst v63  }
0x26: {  	_ =	swait.ge [sflag:s22], $0x80  }
0x27: {  	[sflag:s22] =	ssyncset.done $0x0  }
0x28: {  	[sflag:s22] =	ssyncadd.s32 $0xFFFFFF80  }
0x29: {  	s20 =	rddreg [dreg:$0x4]  }
0x2a: {  	[tilespmem:s24], [sflag:$0xB] =	stream.linear.gather [hbm4b:s20+s8], $0x80, $0x38;
	[tilespmem:$0x19C00] =	vst v63  }
0x2b: {  	_ =	swait.ge [sflag:s22], $0x80  }
0x2c: {  	[sflag:s22] =	ssyncset.done $0x0  }
0x2d: {  	[sflag:s22] =	ssyncadd.s32 $0xFFFFFF80  }
0x2e: {  	s31 =	rddreg [dreg:$0x5]  }
0x2f: {  	[tilespmem:s25], [sflag:$0xB] =	stream.linear.gather [hbm4b:s31+s8], $0x80, $0x38;
	[tilespmem:$0x19C00] =	vst v63  }
0x30: {  	_ =	swait.ge [sflag:s22], $0x80  }
0x31: {  	[sflag:s22] =	ssyncset.done $0x0  }
0x32: {  	s2 =	simm.s32 $0x0;
	s0 =	simm.s32 $0x40;
	[sflag:s22] =	ssyncadd.s32 $0xFFFFFF80  }
.LBB2_2:
0x33: {  	p0 =	sne.s32 s0, $0x9FC0;
	[tilespmem:s2+$0x7800] =	vst v3;
	s3 =	smov.u32 s0;
	s0 =	sadd.s32 $0x40, s0  }
.Ltmp0:
0x34: {  	[tilespmem:s2+$0x2800] =	vst v3;
	(pc) =	sbr.rel @p0 .LBB2_2-.Ltmp0, $2  }
0x35: {  	[tilespmem:s2+$0x5000] =	vst v3;
	_ =	sdelay $0x2  }
0x36: {  	s2 =	sshra.s32 s3, $0x2  }
0x37: {  	[tilespmem:s2+$0x7800] =	vst v3  }
0x38: {  	[tilespmem:s2+$0x2800] =	vst v3  }
0x39: {  	[tilespmem:s2+$0x5000] =	vst v3  }
0x3a: {  	_ =	swait.ge [sflag:s26], $0x1400  }
0x3b: {  	[sflag:s26] =	ssyncset.done $0x0  }
0x3c: {  	[sflag:s26] =	ssyncadd.s32 $0xFFFFEC00  }
0x3d: {  	_ =	swait.ge [sflag:s28], $0x1400  }
0x3e: {  	s0 =	simm.s32 $0x0;
	[sflag:s28] =	ssyncset.done $0x0  }
0x3f: {  	p0 =	por $0x0, $0x0;
	s2 =	simm.s32 $0x0;
	[sflag:s28] =	ssyncadd.s32 $0xFFFFEC00  }
.LBB2_5:
0x40: {  	s3 =	smov.u32 s2  }
0x41: {  	s2 =	sadd.s32 $0x1, s2;
	p1 =	seq.s32 s3, $0x9  }
0x42: {  	s5 =	sadd.s32 @!p1 s7, s2  }
0x43: {  	s6 =	smulhi.u32 @!p1 $0xCCCCCCCD, s5;
	_ =	sdelay $0x1  }
0x44: {  	s6 =	sshrl.u32 @!p1 s6, $0x3  }
0x45: {  	s6 =	smul.u32 @!p1 $0xA, s6;
	_ =	sdelay $0x1  }
0x46: {  	s5 =	ssub.s32 @!p1 s5, s6  }
0x47: {  	s18 =	sand.u32 @!p1 $0x1, s5  }
0x48: {  	s3 =	sand.u32 $0x1, s3;
	s6 =	sshrl.u32 @!p1 s5, $0x1;
	p2 =	seq.s32 @!p1 s18, $0x1  }
0x49: {  	s6 =	smul.u32 @!p1 $0x7D00, s6;
	s18 =	simm.s32 @!p1 $0x3E80;
	p2 =	por !p2, p1  }
0x4a: {  	s19 =	sxor.u32 @!p1 $0x1, s3;
	s18 =	simm.s32 @p2 $0x0  }
0x4b: {  	s10 =	simm.s32 @!p1 $0x0;
	s20 =	smul.u32 @!p1 $0x3E80, s19;
	s6 =	sadd.s32 @!p1 s18, s6  }
0x4c: {  	s5 =	smul.u32 @!p1 $0x7D0, s5;
	s18 =	sshll.u32 @!p1 s19, $0x2;
	s6 =	sshrl.u32 @!p1 s6, $0x3  }
0x4d: {  	s19 =	sadd.s32 @!p1 $0xA000, s20;
	s31 =	sor.u32 @!p1 $0x1, s18;
	s6 =	sadd.s32 @!p1 s9, s6  }
0x4e: {  	[tilespmem:s19], [sflag:s31] =	stream.linear.gather @!p1 [hbm4b:s6+s10], $0x3E80, $0x38;
	[tilespmem:$0x19C00] =	vst v63  }
0x4f: {  	s5 =	sadd.s32 @!p1 s1, s5;
	s6 =	sadd.s32 @!p1 $0x11D00, s20;
	s20 =	sshll.u32 s3, $0x2  }
0x50: {  	s18 =	sor.u32 @!p1 $0x2, s18;
	s3 =	simm.s32 $0x1;
	s31 =	sor.u32 $0x1, s20  }
0x51: {  	[tilespmem:s6], [sflag:s18] =	stream.linear.gather @!p1 [hbm4b:s5+s10], $0x3E80, $0x38;
	[tilespmem:$0x19C00] =	vst v63  }
0x52: {  	s3 =	simm.s32 @!p0 $0x0;
	_ =	swait.ge [sflag:s31], $0x3E80  }
0x53: {  	s3 =	smul.u32 $0x3E80, s3;
	[sflag:s31] =	ssyncset.done $0x0  }
0x54: {  	s5 =	sor.u32 $0x2, s20;
	[sflag:s31] =	ssyncadd.s32 $0xFFFFC180  }
0x55: {  	s10 =	sadd.s32 $0x0, s3;
	_ =	swait.ge [sflag:s5], $0x3E80  }
0x56: {  	s18 =	sand.u32 $0x40, s0;
	s6 =	sand.u32 $0x7F80, s10;
	[sflag:s5] =	ssyncset.done $0x0  }
0x57: {  	s19 =	sor.u32 s18, s6;
	[sflag:s5] =	ssyncadd.s32 $0xFFFFC180  }
0x58: {  	v4 =	vld [tilespmem:s19+$0xA030];
	_ =	sdelay $0x4  }
0x59: {  	v5 =	vld [tilespmem:s19+$0xA000];
	v7 =	vand.u32 $0x3FFF, v4  }
0x5a: {  	v6 =	vld [tilespmem:s19+$0xA010]  }
0x5b: {  	v9 =	vld [tilespmem:s19+$0xA020]  }
0x5c: {  	v10 =	vld [tilespmem:s19+$0x11D00]  }
0x5d: {  	s20 =	simm.s32 $0x40;
	s31 =	sadd.s32 $0x40, s3;
	v13 =	vld [tilespmem:s19+$0x11D30]  }
0x5e: {  	s6 =	sand.u32 $0x7F80, s31;
	s5 =	sand.u32 $0x40, s20;
	v8 =	vand.u32 $0x3FFF, v5;
	v7 =	vld.idx.msk [tilespmem:v7+s8+$0x0], $0xffff  }
0x5f: {  	v14 =	vld [tilespmem:s19+$0x11D10];
	s5 =	sor.u32 s5, s6;
	v11 =	vand.u32 $0x3FFF, v6  }
0x60: {  	v18 =	vld [tilespmem:s5+$0xA030]  }
0x61: {  	v16 =	vld [tilespmem:s19+$0x11D20];
	v4 =	vshra.s32 v4, $0xE  }
0x62: {  	v21 =	vld [tilespmem:s5+$0xA010]  }
0x63: {  	v15 =	vld.idx.msk [tilespmem:v8+s8+$0x0], $0xffff;
	v8 =	vand.u32 $0xFFFF0000, v7  }
0x64: {  	v12 =	vand.u32 $0x3FFF, v9;
	v11 =	vld.idx.msk [tilespmem:v11+s8+$0x0], $0xffff;
	v7 =	vshll.u32 v7, $0x10;
	v8 =	vmul.f32 v8, v13  }
0x65: {  	v22 =	vld [tilespmem:s5+$0xA020];
	v17 =	vand.u32 $0x3FFF, v18;
	v7 =	vmul.f32 v7, v13  }
0x66: {  	[tilespmem:v4+s29+$0x0] =	vst.idx.add.f32.msk $0xffff, v8  }
0x67: {  	v6 =	vshra.s32 v6, $0xE;
	[tilespmem:v4+s30+$0x0] =	vst.idx.add.f32.msk $0xffff, v7  }
0x68: {  	v13 =	vshra.s32 v5, $0xE;
	v7 =	vld [tilespmem:s5+$0xA000]  }
0x69: {  	v12 =	vld.idx.msk [tilespmem:v12+s8+$0x0], $0xffff;
	v19 =	vand.u32 $0xFFFF0000, v11  }
0x6a: {  	v20 =	vld.idx.msk [tilespmem:v17+s8+$0x0], $0xffff;
	v19 =	vmul.f32 v19, v14;
	v4 =	vand.u32 $0xFFFF0000, v15  }
0x6b: {  	v5 =	vshll.u32 v15, $0x10;
	v8 =	vld [tilespmem:s5+$0x11D00];
	v15 =	vmul.f32 v4, v10  }
0x6c: {  	[tilespmem:v6+s29+$0x0] =	vst.idx.add.f32.msk $0xffff, v19;
	v10 =	vmul.f32 v5, v10  }
0x6d: {  	[tilespmem:v13+s29+$0x0] =	vst.idx.add.f32.msk $0xffff, v15;
	v23 =	vand.u32 $0x3FFF, v7  }
0x6e: {  	[tilespmem:v13+s30+$0x0] =	vst.idx.add.f32.msk $0xffff, v10;
	v13 =	vand.u32 $0x3FFF, v22  }
0x6f: {  	v24 =	vand.u32 $0x3FFF, v21;
	v19 =	vld [tilespmem:s5+$0x11D30]  }
0x70: {  	v4 =	vld [tilespmem:s5+$0x11D10]  }
0x71: {  	v9 =	vshra.s32 v9, $0xE;
	v5 =	vld [tilespmem:s5+$0x11D20];
	v10 =	vshll.u32 v11, $0x10  }
0x72: {  	v18 =	vshra.s32 v18, $0xE;
	v11 =	vand.u32 $0xFFFF0000, v12;
	v15 =	vmul.f32 v10, v14;
	v17 =	vld.idx.msk [tilespmem:v23+s8+$0x0], $0xffff  }
0x73: {  	v7 =	vshra.s32 v7, $0xE;
	v14 =	vshra.s32 v21, $0xE;
	v13 =	vld.idx.msk [tilespmem:v13+s8+$0x0], $0xffff;
	v23 =	vshll.u32 v12, $0x10  }
0x74: {  	s6 =	simm.s32 $0x80;
	s5 =	simm.s32 $0x4;
	v12 =	vmul.f32 v11, v16;
	v11 =	vshra.s32 v22, $0xE;
	v10 =	vmul.f32 v23, v16;
	v16 =	vld.idx.msk [tilespmem:v24+s8+$0x0], $0xffff  }
.LBB2_6:
0x75: {  	s10 =	sadd.s32 s6, s3;
	[tilespmem:v6+s30+$0x0] =	vst.idx.add.f32.msk $0xffff, v15;
	v6 =	vmov v14  }
0x76: {  	s18 =	sand.u32 $0x40, s6;
	v14 =	vand.u32 $0xFFFF0000, v20;
	s10 =	sand.u32 $0x7F80, s10;
	[tilespmem:v9+s29+$0x0] =	vst.idx.add.f32.msk $0xffff, v12  }
0x77: {  	v15 =	vshll.u32 v20, $0x10;
	v12 =	vand.u32 $0xFFFF0000, v17;
	s10 =	sor.u32 s18, s10;
	v14 =	vmul.f32 v14, v19;
	[tilespmem:v9+s30+$0x0] =	vst.idx.add.f32.msk $0xffff, v10;
	v9 =	vmovc v11  }
0x78: {  	s5 =	sadd.s32 $0x4, s5;
	v10 =	vshll.u32 v17, $0x10;
	v11 =	vmul.f32 v12, v8;
	v12 =	vmul.f32 v15, v19;
	v21 =	vld [tilespmem:s10+$0xA030]  }
0x79: {  	p1 =	slt.u32 s5, $0x3E4;
	v17 =	vmul.f32 v10, v8;
	v8 =	vand.u32 $0xFFFF0000, v16;
	v10 =	vshll.u32 v16, $0x10;
	[tilespmem:v18+s29+$0x0] =	vst.idx.add.f32.msk $0xffff, v14  }
0x7a: {  	v16 =	vmul.f32 v8, v4;
	v8 =	vand.u32 $0xFFFF0000, v13;
	v13 =	vshll.u32 v13, $0x10;
	[tilespmem:v18+s30+$0x0] =	vst.idx.add.f32.msk $0xffff, v12  }
0x7b: {  	v15 =	vmul.f32 v10, v4;
	v12 =	vmul.f32 v8, v5;
	v14 =	vld [tilespmem:s10+$0xA000]  }
0x7c: {  	v10 =	vmul.f32 v13, v5;
	v18 =	vld [tilespmem:s10+$0xA010]  }
0x7d: {  	v13 =	vld [tilespmem:s10+$0xA020]  }
0x7e: {  	v8 =	vld [tilespmem:s10+$0x11D00]  }
0x7f: {  	v19 =	vand.u32 $0x3FFF, v21;
	v4 =	vld [tilespmem:s10+$0x11D10]  }
0x80: {  	v20 =	vshra.s32 v14, $0xE;
	v22 =	vand.u32 $0x3FFF, v14;
	v5 =	vld [tilespmem:s10+$0x11D20]  }
0x81: {  	v14 =	vshra.s32 v18, $0xE;
	v18 =	vand.u32 $0x3FFF, v18;
	[tilespmem:v7+s29+$0x0] =	vst.idx.add.f32.msk $0xffff, v11  }
0x82: {  	v11 =	vshra.s32 v13, $0xE;
	v13 =	vand.u32 $0x3FFF, v13;
	[tilespmem:v7+s30+$0x0] =	vst.idx.add.f32.msk $0xffff, v17;
	v7 =	vmov v20  }
0x83: {  	[tilespmem:v6+s29+$0x0] =	vst.idx.add.f32.msk $0xffff, v16  }
.Ltmp1:
0x84: {  	v20 =	vld.idx.msk [tilespmem:v19+s8+$0x0], $0xffff;
	(pc) =	sbr.rel @p1 .LBB2_6-.Ltmp1, $4  }
0x85: {  	v17 =	vld.idx.msk [tilespmem:v22+s8+$0x0], $0xffff  }
0x86: {  	v19 =	vld [tilespmem:s10+$0x11D30]  }
0x87: {  	v16 =	vld.idx.msk [tilespmem:v18+s8+$0x0], $0xffff  }
0x88: {  	s6 =	sadd.s32 $0x40, s6;
	v18 =	vshra.s32 v21, $0xE;
	v13 =	vld.idx.msk [tilespmem:v13+s8+$0x0], $0xffff  }
0x89: {  	_ =	sdelay $0x3  }
0x8a: {  	[tilespmem:v6+s30+$0x0] =	vst.idx.add.f32.msk $0xffff, v15;
	v52 =	vand.u32 $0xFFFF0000, v20  }
0x8b: {  	[tilespmem:v9+s29+$0x0] =	vst.idx.add.f32.msk $0xffff, v12;
	v54 =	vand.u32 $0xFFFF0000, v17;
	v6 =	vmul.f32 v52, v19  }
0x8c: {  	v53 =	vshll.u32 v20, $0x10;
	[tilespmem:v9+s30+$0x0] =	vst.idx.add.f32.msk $0xffff, v10;
	v57 =	vmul.f32 v54, v8  }
0x8d: {  	v56 =	vshll.u32 v17, $0x10;
	v55 =	vmul.f32 v53, v19;
	[tilespmem:v18+s29+$0x0] =	vst.idx.add.f32.msk $0xffff, v6  }
0x8e: {  	v58 =	vmul.f32 v56, v8;
	v59 =	vand.u32 $0xFFFF0000, v16;
	[tilespmem:v7+s29+$0x0] =	vst.idx.add.f32.msk $0xffff, v57  }
0x8f: {  	v60 =	vshll.u32 v16, $0x10;
	v8 =	vmul.f32 v59, v4;
	[tilespmem:v18+s30+$0x0] =	vst.idx.add.f32.msk $0xffff, v55  }
0x90: {  	v61 =	vand.u32 $0xFFFF0000, v13;
	v4 =	vmul.f32 v60, v4;
	[tilespmem:v7+s30+$0x0] =	vst.idx.add.f32.msk $0xffff, v58  }
0x91: {  	v62 =	vshll.u32 v13, $0x10;
	v63 =	vmul.f32 v61, v5;
	[tilespmem:v14+s29+$0x0] =	vst.idx.add.f32.msk $0xffff, v8  }
0x92: {  	v5 =	vmul.f32 v62, v5;
	[tilespmem:v14+s30+$0x0] =	vst.idx.add.f32.msk $0xffff, v4  }
0x93: {  	[tilespmem:v11+s29+$0x0] =	vst.idx.add.f32.msk $0xffff, v63  }
0x94: {  	[tilespmem:v11+s30+$0x0] =	vst.idx.add.f32.msk $0xffff, v5  }
0x95: {  	p1 =	seq.s32 s2, $0xA  }
.Ltmp2:
0x96: {  	_ = 	snop;
	(pc) =	sbr.rel @!p1 .LBB2_5-.Ltmp2, $2  }
0x97: {  	_ =	sdelay $0x2  }
0x98: {  	p0 =	por !p0, !p0;
	v4 =	vimm.f32 $0.0e+00;
	s3 =	simm.s32 $0x0  }
0x99: {  	s2 =	sshra.s32 s3, $0x2  }
0x9a: {  	v6 =	vld [tilespmem:s2+$0x2800]  }
0x9b: {  	s0 =	sadd.s32 $0x40, s3;
	v5 =	vimm.f32 $0.0e+00;
	v7 =	vimm.f32 $0.0e+00  }
.LBB2_9:
0x9c: {  	p0 =	sne.s32 s0, $0x9C00  }
.Ltmp3:
0x9d: {  	_ = 	snop;
	(pc) =	sbr.rel @p0 .LBB2_9-.Ltmp3, $4  }
0x9e: {  	_ = 	snop  }
0x9f: {  	s2 =	sshra.s32 s0, $0x2;
	s0 =	sadd.s32 $0x40, s0;
	v5 =	vadd.f32 v6, v5;
	v8 =	vmul.f32 v6, v6  }
0xa0: {  	v6 =	vld [tilespmem:s2+$0x2800]  }
0xa1: {  	v7 =	vadd.f32 v8, v7  }
0xa2: {  	_ =	sdelay $0x2  }
0xa3: {  	v8 =	vmul.f32 v6, v6  }
0xa4: {  	s2 =	simm.s32 $0x0  }
0xa5: {  	v6 =	vadd.f32 v6, v5;
	v5 =	vadd.f32 v8, v7;
	v8 =	vld [tilespmem:s2+$0x5000]  }
0xa6: {  	s0 =	simm.s32 $0x40;
	v7 =	vimm.f32 $0.0e+00  }
.LBB2_11:
0xa7: {  	p0 =	sne.s32 s0, $0x9C00  }
.Ltmp4:
0xa8: {  	_ = 	snop;
	(pc) =	sbr.rel @p0 .LBB2_11-.Ltmp4, $4  }
0xa9: {  	_ = 	snop  }
0xaa: {  	s2 =	sshra.s32 s0, $0x2;
	s0 =	sadd.s32 $0x40, s0;
	v4 =	vadd.f32 v8, v4;
	v9 =	vmul.f32 v8, v8  }
0xab: {  	v8 =	vld [tilespmem:s2+$0x5000]  }
0xac: {  	v7 =	vadd.f32 v9, v7  }
0xad: {  	_ =	sdelay $0x2  }
0xae: {  	(xrf2) =	vadd.scan.msk.f32 $0xffff, v6;
	v4 =	vadd.f32 v8, v4;
	v6 =	vmul.f32 v8, v8  }
0xaf: {  	(xrf2) =	vadd.scan.msk.f32 $0xffff, v5  }
0xb0: {  	(xrf2) =	vadd.scan.msk.f32 $0xffff, v4;
	v4 =	vadd.f32 v6, v7;
	_ =	sdelay $0x1  }
0xb1: {  	(xrf2) =	vadd.scan.msk.f32 $0xffff, v4;
	_ =	sdelay $0x5  }
0xb2: {  	v4, _, _ =	vpop (xrf2)  }
0xb3: {  	v5, _, _ =	vpop (xrf2);
	(v2sf) =	vpush v4, $0xF  }
0xb4: {  	(v2sf) =	vpush v5, $0xF  }
0xb5: {  	v4, _, _ =	vpop (xrf2)  }
0xb6: {  	(v2sf) =	vpush v4, $0xF;
	v4, _, _ =	vpop (xrf2)  }
0xb7: {  	(v2sf) =	vpush v4, $0xF;
	_ =	sdelay $0xa  }
0xb8: {  	s0 =	spop (v2sf)  }
0xb9: {  	s2 =	spop (v2sf);
	s0 =	smul.f32 $9.999999740e-05, s0  }
0xba: {  	s2 =	smul.f32 $9.999999740e-05, s2  }
0xbb: {  	s6 =	smul.f32 s0, s0;
	s3 =	spop (v2sf)  }
0xbc: {  	s3 =	smul.f32 $9.999999740e-05, s3;
	s5 =	spop (v2sf)  }
0xbd: {  	s5 =	smul.f32 $9.999999740e-05, s5  }
0xbe: {  	s10 =	smul.f32 s3, s3  }
0xbf: {  	s2 =	ssub.f32 s2, s6  }
0xc0: {  	s5 =	ssub.f32 s5, s10  }
0xc1: {  	v4 =	vmov s2  }
0xc2: {  	v4 =	vadd.f32 $9.999999740e-06, v4;
	v5 =	vmov s5  }
0xc3: {  	v5 =	vadd.f32 $9.999999740e-06, v5  }
0xc4: {  	v4 =	vbroadcast v4, $0x0  }
0xc5: {  	v5 =	vbroadcast v5, $0x0  }
0xc6: {  	v6 =	vshra.s32 v4, $0x1;
	v4 =	vmul.f32 $5.000000000e-01, v4  }
0xc7: {  	v6 =	vsub.s32 $0x5F3759DF, v6;
	v7 =	vshra.s32 v5, $0x1;
	v5 =	vmul.f32 $5.000000000e-01, v5  }
0xc8: {  	v8 =	vmul.f32 v6, v4;
	v7 =	vsub.s32 $0x5F3759DF, v7  }
0xc9: {  	v9 =	vmul.f32 v7, v5  }
0xca: {  	v8 =	vmul.f32 v6, v8  }
0xcb: {  	v9 =	vmul.f32 v7, v9  }
0xcc: {  	v8 =	vsub.f32 $1.500000000e+00, v8  }
0xcd: {  	v9 =	vsub.f32 $1.500000000e+00, v9  }
0xce: {  	v6 =	vmul.f32 v6, v8  }
0xcf: {  	v7 =	vmul.f32 v7, v9  }
0xd0: {  	v8 =	vmul.f32 v6, v4  }
0xd1: {  	v9 =	vmul.f32 v7, v5  }
0xd2: {  	v8 =	vmul.f32 v8, v6  }
0xd3: {  	v9 =	vmul.f32 v9, v7  }
0xd4: {  	v8 =	vsub.f32 $1.500000000e+00, v8  }
0xd5: {  	v9 =	vsub.f32 $1.500000000e+00, v9  }
0xd6: {  	v6 =	vmul.f32 v8, v6  }
0xd7: {  	v7 =	vmul.f32 v9, v7  }
0xd8: {  	v10 =	vld.idx.msk [tilespmem:v2+s23+$0x0], $0xffff;
	v4 =	vmul.f32 v6, v4  }
0xd9: {  	v12 =	vld.idx.msk [tilespmem:v0+s23+$0x0], $0xffff;
	v5 =	vmul.f32 v7, v5  }
0xda: {  	v14 =	vld.msk [tilespmem:s25+$0x0], $0xffff;
	v11 =	vmul.f32 v4, v6  }
0xdb: {  	v8 =	vld.idx.msk [tilespmem:v2+s21+$0x0], $0xffff;
	v13 =	vmul.f32 v5, v7  }
0xdc: {  	s20 =	simm.s32 $0x5020;
	v9 =	vld.idx.msk [tilespmem:v0+s21+$0x0], $0xffff;
	v11 =	vsub.f32 $1.500000000e+00, v11  }
0xdd: {  	s19 =	simm.s32 $0x2820;
	v15 =	vld [tilespmem:s20+$0xFFFFFFE0];
	v13 =	vsub.f32 $1.500000000e+00, v13  }
0xde: {  	v16 =	vld [tilespmem:s19+$0xFFFFFFF0];
	v6 =	vmul.f32 v11, v6  }
0xdf: {  	v11 =	vld [tilespmem:s19+$0x10];
	v7 =	vmul.f32 v13, v7  }
0xe0: {  	v6 =	vmul.f32 v8, v6;
	v13 =	vld [tilespmem:s20+$0x10]  }
0xe1: {  	v17 =	vld [tilespmem:s20+$0xFFFFFFF0];
	v7 =	vmul.f32 v9, v7  }
0xe2: {  	v18 =	vld [tilespmem:s19+$0x0];
	v8 =	vmul.f32 s0, v6  }
0xe3: {  	v19 =	vld [tilespmem:s20+$0x0];
	v9 =	vmul.f32 s3, v7  }
0xe4: {  	v4 =	vld.idx.msk [tilespmem:v2+s24+$0x0], $0xffff;
	v11 =	vmul.f32 v11, v6;
	v8 =	vsub.f32 v10, v8;
	v10 =	vmul.f32 v14, v1  }
0xe5: {  	v14 =	vmul.f32 v16, v6;
	v9 =	vsub.f32 v12, v9;
	v12 =	vmul.f32 v13, v7;
	v13 =	vld [tilespmem:s19+$0xFFFFFFE0]  }
0xe6: {  	v5 =	vld.idx.msk [tilespmem:v0+s24+$0x0], $0xffff  }
0xe7: {  	v11 =	vadd.f32 v11, v8;
	v14 =	vadd.f32 v14, v8  }
0xe8: {  	v16 =	vmul.f32 v17, v7;
	v17 =	vmul.f32 v18, v6;
	v12 =	vadd.f32 v12, v9  }
0xe9: {  	v15 =	vmul.f32 v15, v7;
	v18 =	vmul.f32 v19, v7;
	v11 =	vmax.f32 v11, $0.0e+00  }
0xea: {  	v17 =	vadd.f32 v17, v8;
	v12 =	vmax.f32 v12, $0.0e+00;
	v13 =	vmul.f32 v13, v6  }
0xeb: {  	s31 =	simm.s32 $0x2860;
	v11 =	vmul.f32 v11, v4;
	v15 =	vadd.f32 v15, v9;
	v12 =	vmul.f32 v12, v5  }
0xec: {  	s0 =	simm.s32 $0x5060;
	v19 =	vld [tilespmem:s31+$0x10];
	v16 =	vadd.f32 v16, v9;
	v17 =	vmax.f32 v17, $0.0e+00;
	v13 =	vadd.f32 v13, v8  }
0xed: {  	v11 =	vadd.f32 v12, v11;
	v12 =	vmax.f32 v14, $0.0e+00;
	v14 =	vadd.f32 v18, v9;
	v18 =	vld [tilespmem:s0+$0x10]  }
0xee: {  	v20 =	vld [tilespmem:s0+$0xFFFFFFE0];
	v15 =	vmax.f32 v15, $0.0e+00;
	v16 =	vmax.f32 v16, $0.0e+00;
	v13 =	vmax.f32 v13, $0.0e+00  }
0xef: {  	v21 =	vadd.f32 v11, v10;
	v11 =	vmul.f32 v15, v5;
	v15 =	vld [tilespmem:s31+$0xFFFFFFF0];
	v13 =	vmul.f32 v13, v4  }
0xf0: {  	v23 =	vld [tilespmem:s31+$0x0];
	v16 =	vmul.f32 v16, v5;
	v12 =	vmul.f32 v12, v4;
	v14 =	vmax.f32 v14, $0.0e+00  }
0xf1: {  	v22 =	vld [tilespmem:s0+$0xFFFFFFF0];
	v17 =	vmul.f32 v17, v4;
	v13 =	vadd.f32 v11, v13;
	v11 =	vmul.f32 v14, v5  }
0xf2: {  	v12 =	vadd.f32 v16, v12;
	v16 =	vld [tilespmem:s0+$0x0];
	v14 =	vmul.f32 v19, v6;
	v18 =	vmul.f32 v18, v7  }
0xf3: {  	v19 =	vmul.f32 v20, v7;
	v11 =	vadd.f32 v11, v17;
	v17 =	vld [tilespmem:s31+$0xFFFFFFE0];
	v20 =	vadd.f32 v13, v10  }
0xf4: {  	v13 =	vmul.f32 v15, v6;
	v14 =	vadd.f32 v14, v8;
	v15 =	vadd.f32 v18, v9  }
0xf5: {  	v62 =	vmul.f32 v23, v6;
	v12 =	vadd.f32 v12, v10;
	v19 =	vadd.f32 v19, v9  }
0xf6: {  	s2 =	simm.s32 $0x7820;
	v18 =	vmul.f32 v22, v7;
	v14 =	vmax.f32 v14, $0.0e+00;
	v15 =	vmax.f32 v15, $0.0e+00  }
0xf7: {  	[tilespmem:s2+$0x10] =	vst v21;
	v13 =	vadd.f32 v13, v8;
	v63 =	vmul.f32 v14, v4;
	v15 =	vmul.f32 v15, v5  }
0xf8: {  	[tilespmem:s2+$0xFFFFFFF0] =	vst v12;
	v14 =	vadd.f32 v18, v9;
	v18 =	vmul.f32 v16, v7;
	v17 =	vmul.f32 v17, v6  }
0xf9: {  	s6 =	simm.s32 $0x28A0;
	s5 =	simm.s32 $0x4;
	s3 =	simm.s32 $0x7820;
	[tilespmem:s2+$0xFFFFFFE0] =	vst v20;
	v12 =	vmax.f32 v19, $0.0e+00;
	v16 =	vadd.f32 v62, v8;
	v15 =	vadd.f32 v15, v63  }
.LBB2_13:
0xfa: {  	v19 =	vld [tilespmem:s6+$0x10];
	v17 =	vadd.f32 v17, v8;
	v13 =	vmax.f32 v13, $0.0e+00;
	v18 =	vadd.f32 v18, v9;
	s0 =	sadd.s32 $0x40, s0  }
0xfb: {  	s5 =	sadd.s32 $0x4, s5;
	v14 =	vmax.f32 v14, $0.0e+00;
	v20 =	vld [tilespmem:s0+$0x10];
	v16 =	vmax.f32 v16, $0.0e+00;
	v15 =	vadd.f32 v15, v10  }
0xfc: {  	v12 =	vmul.f32 v12, v5;
	s2 =	sadd.s32 $0x40, s2;
	p0 =	slt.u32 s5, $0x26C;
	v21 =	vld [tilespmem:s0+$0xFFFFFFE0];
	v17 =	vmax.f32 v17, $0.0e+00;
	v18 =	vmax.f32 v18, $0.0e+00  }
0xfd: {  	v11 =	vadd.f32 v11, v10;
	v13 =	vmul.f32 v13, v4;
	v22 =	vld [tilespmem:s6+$0xFFFFFFF0];
	v17 =	vmul.f32 v17, v4;
	[tilespmem:s2+$0x10] =	vst v15  }
0xfe: {  	v14 =	vmul.f32 v14, v5;
	v16 =	vmul.f32 v16, v4;
	v15 =	vld [tilespmem:s0+$0xFFFFFFF0]  }
0xff: {  	v23 =	vld [tilespmem:s6+$0x0];
	v12 =	vadd.f32 v12, v17;
	v17 =	vmul.f32 v18, v5;
	[tilespmem:s3+$0x0] =	vst v11;
	s3 =	smov.u32 s2  }
0x100: {  	v13 =	vadd.f32 v14, v13;
	v19 =	vmul.f32 v19, v6;
	v18 =	vld [tilespmem:s0+$0x0];
	v20 =	vmul.f32 v20, v7  }
0x101: {  	v14 =	vld [tilespmem:s6+$0xFFFFFFE0];
	v21 =	vmul.f32 v21, v7;
	v12 =	vadd.f32 v12, v10;
	v11 =	vadd.f32 v17, v16  }
0x102: {  	v17 =	vadd.f32 v19, v8;
	v16 =	vmul.f32 v22, v6;
	v19 =	vadd.f32 v20, v9  }
.Ltmp5:
0x103: {  	v20 =	vadd.f32 v21, v9;
	v15 =	vmul.f32 v15, v7;
	[tilespmem:s2+$0xFFFFFFE0] =	vst v12;
	v12 =	vadd.f32 v13, v10;
	(pc) =	sbr.rel @p0 .LBB2_13-.Ltmp5, $4  }
0x104: {  	v17 =	vmax.f32 v17, $0.0e+00;
	v21 =	vmul.f32 v23, v6;
	v19 =	vmax.f32 v19, $0.0e+00  }
0x105: {  	v13 =	vadd.f32 v16, v8;
	v22 =	vmul.f32 v17, v4;
	v19 =	vmul.f32 v19, v5;
	[tilespmem:s2+$0xFFFFFFF0] =	vst v12  }
0x106: {  	v18 =	vmul.f32 v18, v7;
	v17 =	vmul.f32 v14, v6;
	v14 =	vadd.f32 v15, v9  }
0x107: {  	s6 =	sadd.s32 $0x40, s6;
	v12 =	vmax.f32 v20, $0.0e+00;
	v16 =	vadd.f32 v21, v8;
	v15 =	vadd.f32 v19, v22  }
0x108: {  	v17 =	vadd.f32 v17, v8;
	v13 =	vmax.f32 v13, $0.0e+00;
	v18 =	vadd.f32 v18, v9  }
0x109: {  	v14 =	vmax.f32 v14, $0.0e+00;
	v12 =	vmul.f32 v12, v5;
	v11 =	vadd.f32 v11, v10  }
0x10a: {  	v13 =	vmul.f32 v13, v4;
	v14 =	vmul.f32 v14, v5;
	v17 =	vmax.f32 v17, $0.0e+00  }
0x10b: {  	v16 =	vmax.f32 v16, $0.0e+00;
	v18 =	vmax.f32 v18, $0.0e+00;
	v17 =	vmul.f32 v17, v4  }
0x10c: {  	v16 =	vmul.f32 v16, v4;
	v60 =	vmul.f32 v18, v5;
	v13 =	vadd.f32 v14, v13  }
0x10d: {  	v15 =	vadd.f32 v15, v10;
	v12 =	vadd.f32 v12, v17  }
0x10e: {  	s0 =	sadd.s32 $0x40, s2;
	[tilespmem:s3+$0x0] =	vst v11;
	v61 =	vadd.f32 v60, v16;
	v62 =	vadd.f32 v13, v10  }
0x10f: {  	[tilespmem:s0+$0x10] =	vst v15;
	v12 =	vadd.f32 v12, v10  }
0x110: {  	v63 =	vadd.f32 v61, v10;
	[tilespmem:s0+$0xFFFFFFF0] =	vst v62  }
0x111: {  	[tilespmem:s0+$0xFFFFFFE0] =	vst v12  }
0x112: {  	[tilespmem:s0+$0x0] =	vst v63  }
0x113: {  	v11 =	vld [tilespmem:$0x4F00]  }
0x114: {  	v12 =	vld [tilespmem:$0x7700];
	_ =	sdelay $0x4  }
0x115: {  	v6 =	vmul.f32 v11, v6;
	v7 =	vmul.f32 v12, v7;
	_ =	sdelay $0x1  }
0x116: {  	v6 =	vadd.f32 v6, v8;
	v7 =	vadd.f32 v7, v9;
	_ =	sdelay $0x1  }
0x117: {  	v6 =	vmax.f32 v6, $0.0e+00;
	v7 =	vmax.f32 v7, $0.0e+00  }
0x118: {  	v4 =	vmul.f32 v6, v4;
	v5 =	vmul.f32 v7, v5;
	_ =	sdelay $0x1  }
0x119: {  	v4 =	vadd.f32 v5, v4;
	_ =	sdelay $0x1  }
0x11a: {  	s4 =	sadd.s32 $0x1, s4;
	v4 =	vadd.f32 v4, v10  }
0x11b: {  	p0 =	sne.s32 s4, s15  }
.Ltmp6:
0x11c: {  	s31 =	simm.s32 $0x7800;
	[tilespmem:$0x9F00] =	vst v4;
	(pc) =	sbr.rel @p0 .LBB2_1-.Ltmp6, $4  }
0x11d: {  	[hbm4b:s14+s16] =	stream.strided.scatter [tilespmem:s31], [sflag:$0xB], $0x2800, s17, s16, $0x38;
	[tilespmem:$0x19C00] =	vst v63  }
0x11e: {  	_ =	swait.ge [sflag:s22], $0x2800  }
0x11f: {  	[sflag:s22] =	ssyncset.done $0x0  }
0x120: {  	[sflag:s22] =	ssyncadd.s32 $0xFFFFD800  }
0x121: {  	_ =	sfence.sel $0x180000  }
0x122: {  	[bflag:$0x0] =	sbarrier.arrive $0xFFFF  }
0x123: {  	_ =	strace $0x90000047  }
0x124: {  	s0 =	stileid.u32;
	[bflag:$0x2] =	sbarrier.arrive $0xFFFF  }
0x125: {  	p0 =	sne.s32 s0, $0x0;
	s0 =	rddreg [dreg:$0x6]  }
0x126: {  	s0 =	sadd.s32 @!p0 $0x100000, s0  }
0x127: {  	[sflag:s0] =	ssyncadd.tile.s32 @!p0 $0x1;
	_ =	shalt  }
.Lfunc_end2:
_tile_overlayer_lowered:
.L_overlay_start_2:
0x128: {  	(tag) =	ssettag $0x2  }
0x129: {  	s0 =	rddreg [dreg:$0x0];
	s2 =	stileid.u32  }
0x12a: {  	s1 =	rddreg [dreg:$0x1];
	p0 =	sne.s32 s2, $0x0  }
0x12b: {  	s3 =	rddreg [dreg:$0x2];
	[bflag:$0x3] =	sbarrier.arrive $0xFFFF;
	s2 =	simm.s32 @!p0 $0x1C0B  }
0x12c: {  	[timem:s3], [sflag:s2] =	dma.local @!p0 [hbm:s0], s1  }
0x12d: {  	s0 =	simm.s32 @!p0 $0xB  }
0x12e: {  	_ =	swait.ge @!p0 [sflag:s0], s1  }
0x12f: {  	s1 =	ssub.s32 @!p0 $0x0, s1;
	[sflag:s0] =	ssyncset.done @!p0 $0x0  }
0x130: {  	[sflag:s0] =	ssyncadd.s32 @!p0 s1  }
0x131: {  	[bflag:$0x3] =	sbarrier.arrive $0xFFFF  }
0x132: {  	_ =	shalt  }

// kernel: kernel.8.cloned.1.call-start
scs
__scs_entry_jumppad:
0x0: {  	(pc) =	sbr.rel $0x88, $3  }
0x1: {  	(tag) =	ssettag $0x0;
	lr =	simm.s32 $0x1  }
0x2: {  	[smem:$0x3F98] =	sst lr;
	_ =	strace $0xD0000000  }
0x3: {  	_ = 	snop  }
0x4: {  	_ = 	snop  }
0x5: {  	_ = 	snop  }
0x6: {  	_ = 	snop  }
0x7: {  	_ = 	snop  }
__scs_overlays_trampoline_lowered:
0x8: {  	[smem:$0x3FA7] =	sst s0  }
0x9: {  	[smem:$0x3FA8] =	sst s1  }
0xa: {  	[smem:$0x3FA9] =	sst s2  }
0xb: {  	[smem:$0x3FAA] =	sst s3  }
0xc: {  	[smem:$0x3FAB] =	sst s4  }
0xd: {  	[smem:$0x3FAC] =	sst s5  }
0xe: {  	[smem:$0x3FAD] =	sst s6  }
0xf: {  	[smem:$0x3FAE] =	sst s7  }
0x10: {  	[smem:$0x3FAF] =	sst s8  }
0x11: {  	[smem:$0x3FB0] =	sst s9;
	s0 =	simm.s32 @!p0 $0x0  }
0x12: {  	s1 =	sld [smem:$0x3F96];
	s0 =	simm.s32 @p0 $0x1  }
0x13: {  	[smem:$0x3FB1] =	sst s0;
	s0 =	simm.s32 @!p1 $0x0  }
0x14: {  	s2 =	sld [smem:$0x3F95];
	s0 =	simm.s32 @p1 $0x1  }
0x15: {  	[smem:$0x3FB2] =	sst s0;
	s0 =	simm.s32 @!p2 $0x0  }
0x16: {  	s3 =	sld [smem:$0x3FDB];
	s0 =	simm.s32 @p2 $0x1  }
0x17: {  	s4 =	simm.s32 $0x1BF5;
	[smem:$0x3FB4] =	sst s0  }
0x18: {  	s0 =	sld [smem:$0x3F97];
	_ =	swait.ge [sflag:s4], $0x0  }
0x19: {  	s7 =	sld [smem:$0x3F98]  }
0x1a: {  	s8 =	sadd.s32 $0xFFFFE003, lr  }
0x1b: {  	s9 =	sadd.s32 $0xFFFFFEF7, lr;
	s5 =	simm.s32 $0xFFFFFFFF;
	p2 =	slt.u32 s8, $0xFFFFF086  }
0x1c: {  	p1 =	slt.u32 s9, $0xF7A;
	s5 =	simm.s32 @!p2 $0x0  }
0x1d: {  	s5 =	simm.s32 @p1 $0x1;
	p0 =	seq.s32 s7, s2  }
0x1e: {  	s7 =	smul.u32 @!p0 $0xF7A, s2;
	p2 =	seq.s32 @!p0 s5, $0x0  }
0x1f: {  	s9 =	smul.u32 $0xF7A, s1;
	s8 =	simm.s32 @!p0 $0x1BF5;
	p2 =	por !p2, p0  }
0x20: {  	[sflag:s8] =	ssyncset.s32 @!p0 $0xFFFFF086;
	s6 =	sadd.s32 @!p0 s3, s7;
	s7 =	simm.s32 @!p0 $0x108  }
0x21: {  	s3 =	sadd.s32 s3, s9;
	s6 =	sadd.s32 @!p0 $0x88, s6;
	s7 =	simm.s32 @p2 $0x1082  }
0x22: {  	[simem:s7], [sflag:s8] =	dma.local @!p0 [hbm:s6], $0xF7A  }
0x23: {  	s9 =	sor.u32 $0xD0000000, s2;
	s6 =	simm.s32 $0x108;
	_ =	swait.ge @!p0 [sflag:s8], $0x0  }
0x24: {  	s3 =	sadd.s32 $0x88, s3;
	s6 =	simm.s32 @!p1 $0x1082;
	[sflag:s4] =	ssyncset.s32 $0xFFFFF086  }
0x25: {  	[simem:s6], [sflag:s4] =	dma.local [hbm:s3], $0xF7A  }
0x26: {  	[smem:$0x3F98] =	sst s1;
	(tag) =	ssettag s2;
	_ =	strace s9  }
0x27: {  	s1 =	sld [smem:$0x3FA8]  }
0x28: {  	s2 =	sld [smem:$0x3FA9]  }
0x29: {  	s4 =	sld [smem:$0x3FAB]  }
0x2a: {  	p0 =	seq.s32 s5, $0x0;
	s5 =	sld [smem:$0x3FAC]  }
0x2b: {  	s6 =	sld [smem:$0x3FAD]  }
0x2c: {  	s7 =	sld [smem:$0x3FAE]  }
0x2d: {  	s3 =	simm.s32 $0x108;
	s8 =	sld [smem:$0x3FAF]  }
0x2e: {  	s3 =	simm.s32 @!p0 $0x1082;
	s9 =	sld [smem:$0x3FB0]  }
0x2f: {  	lr =	sadd.s32 s0, s3;
	s0 =	sld [smem:$0x3FA7]  }
0x30: {  	s3 =	sld [smem:$0x3FAA]  }
0x31: {  	[smem:$0x3FB3] =	sst s10  }
0x32: {  	s10 =	sld [smem:$0x3FB1];
	_ =	sdelay $0x3  }
0x33: {  	p0 =	seq.s32 s10, $0x1;
	s10 =	sld [smem:$0x3FB3];
	_ =	sdelay $0x3  }
0x34: {  	[smem:$0x3FB3] =	sst s10  }
0x35: {  	s10 =	sld [smem:$0x3FB2];
	_ =	sdelay $0x3  }
0x36: {  	p1 =	seq.s32 s10, $0x1;
	s10 =	sld [smem:$0x3FB3];
	_ =	sdelay $0x3  }
0x37: {  	[smem:$0x3FB3] =	sst s10  }
0x38: {  	s10 =	sld [smem:$0x3FB4]  }
0x39: {  	_ = 	snop;
	(pc) =	sbr.ind lr, $3  }
0x3a: {  	_ = 	snop  }
0x3b: {  	_ = 	snop  }
0x3c: {  	p2 =	seq.s32 s10, $0x1;
	s10 =	sld [smem:$0x3FB3]  }
0x3d: {  	_ =	shalt  }
0x3e: {  	_ =	shalt  }
0x3f: {  	_ =	shalt  }
0x40: {  	_ =	shalt  }
0x41: {  	_ =	shalt  }
0x42: {  	_ =	shalt  }
0x43: {  	_ =	shalt  }
0x44: {  	_ =	shalt  }
0x45: {  	_ =	shalt  }
0x46: {  	_ =	shalt  }
0x47: {  	_ =	shalt  }
0x48: {  	_ =	shalt  }
0x49: {  	_ =	shalt  }
0x4a: {  	_ =	shalt  }
0x4b: {  	_ =	shalt  }
0x4c: {  	_ =	shalt  }
0x4d: {  	_ =	shalt  }
0x4e: {  	_ =	shalt  }
0x4f: {  	_ =	shalt  }
0x50: {  	_ =	shalt  }
0x51: {  	_ =	shalt  }
0x52: {  	_ =	shalt  }
0x53: {  	_ =	shalt  }
0x54: {  	_ =	shalt  }
0x55: {  	_ =	shalt  }
0x56: {  	_ =	shalt  }
0x57: {  	_ =	shalt  }
0x58: {  	_ =	shalt  }
0x59: {  	_ =	shalt  }
0x5a: {  	_ =	shalt  }
0x5b: {  	_ =	shalt  }
0x5c: {  	_ =	shalt  }
0x5d: {  	_ =	shalt  }
0x5e: {  	_ =	shalt  }
0x5f: {  	_ =	shalt  }
0x60: {  	_ =	shalt  }
0x61: {  	_ =	shalt  }
0x62: {  	_ =	shalt  }
0x63: {  	_ =	shalt  }
0x64: {  	_ =	shalt  }
0x65: {  	_ =	shalt  }
0x66: {  	_ =	shalt  }
0x67: {  	_ =	shalt  }
0x68: {  	_ =	shalt  }
0x69: {  	_ =	shalt  }
0x6a: {  	_ =	shalt  }
0x6b: {  	_ =	shalt  }
0x6c: {  	_ =	shalt  }
0x6d: {  	_ =	shalt  }
0x6e: {  	_ =	shalt  }
0x6f: {  	_ =	shalt  }
0x70: {  	_ =	shalt  }
0x71: {  	_ =	shalt  }
0x72: {  	_ =	shalt  }
0x73: {  	_ =	shalt  }
0x74: {  	_ =	shalt  }
0x75: {  	_ =	shalt  }
0x76: {  	_ =	shalt  }
0x77: {  	_ =	shalt  }
0x78: {  	_ =	shalt  }
0x79: {  	_ =	shalt  }
0x7a: {  	_ =	shalt  }
0x7b: {  	_ =	shalt  }
0x7c: {  	_ =	shalt  }
0x7d: {  	_ =	shalt  }
0x7e: {  	_ =	shalt  }
0x7f: {  	_ =	shalt  }
0x80: {  	_ =	shalt  }
0x81: {  	_ =	shalt  }
0x82: {  	_ =	shalt  }
0x83: {  	_ =	shalt  }
0x84: {  	_ =	shalt  }
0x85: {  	_ =	shalt  }
0x86: {  	_ =	shalt  }
0x87: {  	_ =	shalt  }
.Lfunc_end0:
.L_simem_size_0:
called_computation.1_lowered:
.L_overlay_start_0:
0x88: {  	s2 =	sld [smem:$0x3FD9]  }
0x89: {  	s3 =	sld [smem:$0x3FFE];
	_ =	sdelay $0x1  }
0x8a: {  	s1 =	srdreg.scid  }
0x8b: {  	s0 =	sand.u32 $0x1, s1  }
0x8c: {  	s17 =	sshll.u32 s0, $0xA;
	s2 =	sadd.s32 s3, s2  }
0x8d: {  	s2 =	sadd.s32 s2, s17  }
0x8e: {  	[smem:$0x3FBF] =	sst s2  }
0x8f: {  	_ = 	snop  }
0x90: {  	s2 =	sld [smem:$0x3FC7]  }
0x91: {  	s18 =	sld [smem:$0x3FD0];
	(tm) =	ssettm $0x1  }
0x92: {  	s4 =	sld [smem:$0x3FFB];
	_ =	sdelay $0x3  }
0x93: {  	_ =	strace s4  }
0x94: {  	s4 =	sld [smem:$0x3FFC];
	_ =	sdelay $0x3  }
0x95: {  	_ =	strace s4  }
0x96: {  	s4 =	sld [smem:$0x3FFD];
	_ =	sdelay $0x3  }
0x97: {  	_ =	strace s4  }
0x98: {  	_ =	strace $0x8FFFFFFF  }
0x99: {  	s19 =	sld [smem:$0x3FDB];
	_ =	sdelay $0x1  }
0x9a: {  	s5 =	simm.s32 $_scs_section_size  }
0x9b: {  	s6 =	simm.s32 $_size__tile_overlayer_lowered;
	s7 =	simm.s32 $_tile_overlayer_lowered  }
0x9c: {  	s22 =	simm.s32 $0x1BFF;
	s21 =	sshll.u32 s7, $0x1;
	s4 =	sadd.s32 s5, s19  }
0x9d: {  	s8 =	simm.s32 $0x0;
	s20 =	sshll.u32 s6, $0x1;
	s6 =	sadd.s32 s21, s4  }
0x9e: {  	[timem:s8], [sflag:s22] =	dma.local [hbm:s6], s20  }
0x9f: {  	_ =	swait.ge [sflag:s22], s20  }
0xa0: {  	s5 =	ssub.s32 $0x0, s20;
	[sflag:s22] =	ssyncset.done $0x0  }
0xa1: {  	[sflag:s22] =	ssyncadd.s32 s5;
	_ =	sdelay $0x1  }
0xa2: {  	s23 =	simm.s32 $0x1B8B  }
0xa3: {  	_ =	swait.ge [sflag:s23], $0x1  }
0xa4: {  	[sflag:s23] =	ssyncset.done $0x0  }
0xa5: {  	s25 =	simm.s32 $0x1B8E;
	s24 =	sld [smem:$0x3FFE];
	[sflag:s23] =	ssyncadd.s32 $0xFFFFFFFF  }
0xa6: {  	s26 =	simm.s32 $execute0_lowered;
	[smem:$0x3FD2] =	sst s25  }
0xa7: {  	s6 =	sshll.u32 s26, $0x1;
	_ =	strace $0x80000049;
	[dreg:$0x1] =	wrdreg $0xFFFFFFFF  }
0xa8: {  	s28 =	simm.s32 $_size_execute0_lowered;
	s4 =	sadd.s32 s4, s6;
	[dreg:$0x0] =	wrdreg $0x0  }
0xa9: {  	s6 =	sshll.u32 s28, $0x1;
	[dreg:$0x2] =	wrdreg s4  }
0xaa: {  	[dreg:$0x3] =	wrdreg s6  }
0xab: {  	[dreg:$0x4] =	wrdreg $0xC0  }
0xac: {  	_ =	task [dreg:s8], $0x5FFFF  }
0xad: {  	[dreg:$0x1] =	wrdreg $0xFFFFFFFF  }
0xae: {  	[dreg:$0x0] =	wrdreg $0x60  }
0xaf: {  	[dreg:$0x2] =	wrdreg s24  }
0xb0: {  	[dreg:$0x3] =	wrdreg s2  }
0xb1: {  	[dreg:$0x4] =	wrdreg s18  }
0xb2: {  	[dreg:$0x5] =	wrdreg $0xBB800  }
0xb3: {  	[dreg:$0x6] =	wrdreg $0xBE000  }
0xb4: {  	[dreg:$0x7] =	wrdreg $0x9  }
0xb5: {  	_ =	task.clear_ibuf [dreg:s8], $0x8FFFF;
	_ =	strace $0x90000049  }
0xb6: {  	s29 =	simm.s32 $0x9;
	_ =	strace $0x8000004B  }
0xb7: {  	_ =	swait.ge [sflag:s29], $0x1  }
0xb8: {  	[sflag:s29] =	ssyncadd.s32 $0xFFFFFFFF  }
0xb9: {  	_ =	strace $0x9000004B  }
0xba: {  	_ =	sfence  }
0xbb: {  	s30 =	sld [smem:$0x0];
	_ =	sdelay $0x2  }
0xbc: {  	s31 =	sshll.u32 s1, $0xD;
	s1 =	sshrl.u32 s1, $0x2  }
0xbd: {  	s3 =	sand.u32 $0x4000, s31;
	s1 =	sadd.s32 s1, s30  }
0xbe: {  	s0 =	sor.u32 s3, s0;
	s1 =	sshll.u32 s1, $0x11  }
0xbf: {  	s0 =	sor.u32 s1, s0  }
0xc0: {  	s0 =	sadd.s32 $0x8F2B, s0  }
0xc1: {  	[sflag:s0] =	ssyncadd.remote.s32 $0x1  }
0xc2: {  	_ =	sfence.sel $0xFFFF  }
0xc3: {  	[dreg:$0x0] =	wrdreg $0xFFFFFFFF;
	(pc) =	sbr.abs _section_cstart, $3  }
0xc4: {  	[dreg:$0x1] =	wrdreg $0xFFFFFFFF  }
0xc5: {  	_ =	task.clear_ibuf [dreg:s8], $0x2FFFF;
	_ =	strace $0x9FFFFFFF  }
0xc6: {  	(tm) =	ssettm $0x7FFFFFFF  }
0xc7: {  	_ =	shalt  }
tec
execute0_lowered:
.L_overlay_start_1:
0x0: {  	(tag) =	ssettag $0x1  }
0x1: {  	s1 =	srdreg.scid  }
0x2: {  	s4 =	rddreg [dreg:$0x0];
	s1 =	sand.u32 $0x1, s1  }
0x3: {  	s3 =	rddreg [dreg:$0x1];
	p0 =	seq.s32 s1, $0x1  }
.Ltmp0:
0x4: {  	s2 =	rddreg [dreg:$0x2];
	(pc) =	sbr.rel @p0 .LBB2_24-.Ltmp0, $4  }
0x5: {  	s7 =	rddreg [dreg:$0x3]  }
0x6: {  	s13 =	rddreg [dreg:$0x4];
	s5 =	simm.s32 $0x0  }
0x7: {  	[smem:$0x7FF] =	sst s5  }
0x8: {  	s0 =	rddreg [dreg:$0x5];
	_ =	strace $0x8000004A;
	s1 =	stileid.u32  }
0x9: {  	s5 =	smul.u32 $0x34, s1  }
0xa: {  	s14 =	smul.u32 $0x280, s1  }
0xb: {  	s12 =	smul.u32 $0x1400, s1  }
0xc: {  	s6 =	sor.u32 $0x10, s1;
	s26 =	smul.u32 $0x320, s1  }
0xd: {  	s8 =	smul.u32 $0x34, s6;
	s5 =	sshrl.u32 s5, $0x8  }
0xe: {  	s9 =	smul.u32 $0x5, s5  }
0xf: {  	s24 =	sadd.s32 $0x1200, s4;
	s8 =	sshrl.u32 s8, $0x8;
	s5 =	smul.u32 $0x7D00, s5  }
0x10: {  	s25 =	sshrl.u32 s1, $0x3;
	s28 =	sshll.u32 s1, $0x7;
	s10 =	smul.u32 $0x5, s8  }
0x11: {  	s29 =	sand.u32 $0x380, s28;
	s8 =	smul.u32 $0x7D00, s8;
	s9 =	ssub.s32 s1, s9  }
0x12: {  	s9 =	sand.u32 $0xFF, s9;
	s10 =	ssub.s32 s6, s10;
	s6 =	smul.u32 $0x320, s6  }
0x13: {  	s31 =	sshrl.u32 s12, $0x3;
	s9 =	smul.u32 $0x1900, s9;
	s11 =	sand.u32 $0xFF, s10  }
0x14: {  	s10 =	sadd.s32 $0x10200, s4;
	s15 =	smul.u32 $0x1900, s11;
	s11 =	sadd.s32 s14, s7  }
0x15: {  	s6 =	sadd.s32 s3, s6;
	s14 =	sshrl.u32 s14, $0x3;
	s5 =	sadd.s32 s9, s5  }
0x16: {  	s9 =	smul.u32 $0x50000, s25;
	s2 =	sadd.s32 s2, s14;
	s8 =	sadd.s32 s15, s8  }
0x17: {  	s14 =	simm.s32 $0x40;
	s5 =	sshrl.u32 s5, $0x3;
	s15 =	sshrl.u32 s8, $0x3  }
0x18: {  	s8 =	sadd.s32 s24, s5;
	s16 =	sshrl.u32 s9, $0x2;
	s9 =	sadd.s32 s3, s26  }
0x19: {  	s3 =	sadd.s32 s12, s13;
	s4 =	sadd.s32 s24, s15;
	s30 =	sadd.s32 s16, s13  }
0x1a: {  	v0 =	vimm.f32 $0.0e+00;
	s13 =	sadd.s32 s10, s31;
	s15 =	simm.s32 $0x0;
	s5 =	sadd.s32 s29, s30  }
.LBB2_2:
0x1b: {  	p0 =	sne.s32 s14, $0x9C0;
	[tilespmem:s15+$0x5500] =	vst v0;
	s15 =	smov.u32 s14;
	s14 =	sadd.s32 $0x40, s14  }
.Ltmp1:
0x1c: {  	(pc) =	sbr.rel @p0 .LBB2_2-.Ltmp1, $2  }
0x1d: {  	_ =	sdelay $0x2  }
0x1e: {  	s15 =	sshra.s32 s15, $0x2  }
0x1f: {  	[tilespmem:s15+$0x5500] =	vst v0;
	s14 =	simm.s32 $0x80;
	s31 =	simm.s32 $0x400;
	s16 =	simm.s32 $0x5000  }
0x20: {  	[tilespmem:s16], [sflag:$0x9] =	stream.strided.gather [hbm4b:s13+s14], $0x280, s31, s14, $0x38;
	[tilespmem:$0xE600] =	vst v63  }
0x21: {  	p0 =	por $0x0, $0x0;
	s13 =	simm.s32 $0x0;
	s14 =	simm.s32 $0x0  }
.LBB2_5:
0x22: {  	s15 =	smov.u32 s14  }
0x23: {  	s14 =	sadd.s32 $0x1, s14;
	p1 =	seq.s32 s15, $0x1F  }
0x24: {  	s16 =	sshrl.u32 @!p1 s14, $0x3  }
0x25: {  	s16 =	smul.u32 @!p1 $0x14000, s16  }
0x26: {  	s17 =	sand.u32 @!p1 $0x1, s14;
	s18 =	sshll.u32 @!p1 s14, $0x7  }
0x27: {  	s19 =	smul.u32 @!p1 $0xA00, s17;
	s18 =	sand.u32 @!p1 $0x380, s18;
	s16 =	sadd.s32 @!p1 s12, s16  }
0x28: {  	s15 =	sand.u32 $0x1, s15;
	s20 =	simm.s32 @!p1 $0x400;
	s16 =	sor.u32 @!p1 s18, s16  }
0x29: {  	s17 =	sadd.s32 @!p1 $0x9, s17;
	s18 =	sshrl.u32 @!p1 s19, $0x2;
	s16 =	sshrl.u32 @!p1 s16, $0x3  }
0x2a: {  	s19 =	simm.s32 @!p1 $0x80;
	s18 =	sor.u32 @!p1 $0x5000, s18;
	s16 =	sadd.s32 @!p1 s10, s16  }
0x2b: {  	[tilespmem:s18], [sflag:s17] =	stream.strided.gather @!p1 [hbm4b:s16+s19], $0x280, s20, s19, $0x38;
	[tilespmem:$0xE600] =	vst v63  }
0x2c: {  	s26 =	sadd.s32 $0x9, s15;
	s16 =	simm.s32 $0x1  }
0x2d: {  	s16 =	simm.s32 @!p0 $0x0;
	_ =	swait.ge [sflag:s26], $0x280  }
0x2e: {  	s15 =	smul.u32 $0x280, s16;
	[sflag:s26] =	ssyncset.done $0x0  }
0x2f: {  	s16 =	simm.s32 $0x5520;
	[sflag:s26] =	ssyncadd.s32 $0xFFFFFD80  }
0x30: {  	s28 =	sadd.s32 $0x0, s15;
	v0 =	vld [tilespmem:s16+$0x10]  }
0x31: {  	s29 =	simm.s32 $0x30;
	v7 =	vld [tilespmem:s16+$0xFFFFFFF0];
	s17 =	sand.u32 $0x780, s28  }
0x32: {  	s30 =	simm.s32 $0x10;
	s18 =	sand.u32 $0x70, s29;
	v8 =	vld [tilespmem:s16+$0x0];
	s17 =	sor.u32 $0x5000, s17  }
0x33: {  	s31 =	simm.s32 $0x20;
	s19 =	sand.u32 $0x50, s30;
	v9 =	vld [tilespmem:s16+$0xFFFFFFE0];
	s18 =	sor.u32 s18, s17  }
0x34: {  	s21 =	sand.u32 $0x40, s13;
	s22 =	sand.u32 $0x60, s31;
	s19 =	sor.u32 s19, s17;
	v2 =	vld [tilespmem:s18+$0x0]  }
0x35: {  	s24 =	sadd.s32 $0x40, s15;
	s23 =	sor.u32 s21, s17;
	s17 =	sor.u32 s22, s17;
	v3 =	vld [tilespmem:s19+$0x0]  }
0x36: {  	s25 =	simm.s32 $0x50;
	s26 =	simm.s32 $0x70;
	v6 =	vld [tilespmem:s17+$0x0];
	s17 =	sand.u32 $0x780, s24  }
0x37: {  	v5 =	vld [tilespmem:s23+$0x0];
	s19 =	sand.u32 $0x70, s26;
	s28 =	sor.u32 $0x5000, s17;
	s17 =	simm.s32 $0x5560  }
0x38: {  	s29 =	simm.s32 $0x40;
	s18 =	sand.u32 $0x50, s25;
	v1 =	vld [tilespmem:s17+$0x10];
	s19 =	sor.u32 s19, s28  }
0x39: {  	s22 =	simm.s32 $0x60;
	s21 =	sand.u32 $0x40, s29;
	s18 =	sor.u32 s18, s28;
	v4 =	vld [tilespmem:s19+$0x0];
	v2 =	vadd.f32 v2, v0  }
0x3a: {  	s30 =	sand.u32 $0x60, s22;
	s21 =	sor.u32 s21, s28;
	v7 =	vadd.f32 v3, v7;
	v0 =	vld [tilespmem:s18+$0x0]  }
0x3b: {  	s31 =	sor.u32 s30, s28;
	v3 =	vld [tilespmem:s21+$0x0];
	[tilespmem:s16+$0x10] =	vst v2  }
0x3c: {  	s20 =	simm.s32 $0x80;
	s19 =	simm.s32 $0x4;
	v6 =	vadd.f32 v6, v8;
	v5 =	vadd.f32 v5, v9;
	s18 =	simm.s32 $0x5560;
	v2 =	vld [tilespmem:s31+$0x0];
	[tilespmem:s16+$0xFFFFFFF0] =	vst v7  }
.LBB2_6:
0x3d: {  	s21 =	sadd.s32 s20, s15  }
0x3e: {  	s22 =	sadd.s32 $0x10, s20;
	s19 =	sadd.s32 $0x4, s19;
	v7 =	vld [tilespmem:s17+$0xFFFFFFF0];
	[tilespmem:s16+$0x0] =	vst v6;
	s23 =	sadd.s32 $0x30, s20  }
0x3f: {  	s21 =	sand.u32 $0x780, s21;
	p1 =	slt.u32 s19, $0x24;
	v6 =	vld [tilespmem:s17+$0x0];
	v4 =	vadd.f32 v4, v1;
	[tilespmem:s16+$0xFFFFFFE0] =	vst v5;
	s17 =	sadd.s32 $0x40, s17  }
0x40: {  	s22 =	sand.u32 $0x50, s22;
	s16 =	sor.u32 $0x5000, s21;
	s21 =	sand.u32 $0x70, s23;
	v5 =	vld [tilespmem:s18+$0xFFFFFFE0]  }
.Ltmp2:
0x41: {  	s23 =	sadd.s32 $0x20, s20;
	v1 =	vld [tilespmem:s17+$0x10];
	s21 =	sor.u32 s21, s16;
	[tilespmem:s18+$0x10] =	vst v4;
	(pc) =	sbr.rel @p1 .LBB2_6-.Ltmp2, $4  }
0x42: {  	s24 =	sand.u32 $0x40, s20;
	s22 =	sor.u32 s22, s16;
	s23 =	sand.u32 $0x60, s23;
	v8 =	vmov v3;
	v4 =	vld [tilespmem:s21+$0x0]  }
0x43: {  	s21 =	sor.u32 s24, s16;
	s23 =	sor.u32 s23, s16;
	s16 =	smov.u32 s18;
	v7 =	vadd.f32 v0, v7;
	v0 =	vld [tilespmem:s22+$0x0]  }
0x44: {  	s18 =	smov.u32 s17;
	v3 =	vld [tilespmem:s21+$0x0];
	v6 =	vadd.f32 v2, v6  }
0x45: {  	s20 =	sadd.s32 $0x40, s20;
	v2 =	vld [tilespmem:s23+$0x0];
	v5 =	vadd.f32 v8, v5;
	[tilespmem:s16+$0xFFFFFFF0] =	vst v7  }
0x46: {  	v7 =	vld [tilespmem:s17+$0xFFFFFFF0]  }
0x47: {  	v8 =	vld [tilespmem:s17+$0x0]  }
0x48: {  	v9 =	vld [tilespmem:s18+$0xFFFFFFE0];
	_ =	sdelay $0x1  }
0x49: {  	[tilespmem:s16+$0x0] =	vst v6;
	v1 =	vadd.f32 v4, v1  }
0x4a: {  	[tilespmem:s16+$0xFFFFFFE0] =	vst v5;
	v0 =	vadd.f32 v0, v7  }
0x4b: {  	[tilespmem:s18+$0x10] =	vst v1;
	v62 =	vadd.f32 v2, v8  }
0x4c: {  	v63 =	vadd.f32 v3, v9;
	[tilespmem:s18+$0xFFFFFFF0] =	vst v0  }
0x4d: {  	[tilespmem:s18+$0x0] =	vst v62  }
0x4e: {  	[tilespmem:s18+$0xFFFFFFE0] =	vst v63  }
0x4f: {  	p1 =	seq.s32 s14, $0x20  }
.Ltmp3:
0x50: {  	_ = 	snop;
	(pc) =	sbr.rel @!p1 .LBB2_5-.Ltmp3, $2  }
0x51: {  	_ =	sdelay $0x2  }
0x52: {  	p0 =	por !p0, !p0  }
0x53: {  	s10 =	simm.s32 $0x5500;
	s30 =	simm.s32 $0xB  }
0x54: {  	[spmem:s11] =	stream.linear.scatter [tilespmem:s10], [sflag:$0xB], $0x280, $0x38;
	[tilespmem:$0xE600] =	vst v63  }
0x55: {  	_ =	swait.ge [sflag:s30], $0x280  }
0x56: {  	[sflag:s30] =	ssyncset.done $0x0  }
0x57: {  	[sflag:s30] =	ssyncadd.s32 $0xFFFFFD80  }
0x58: {  	s31 =	simm.s32 $0x0;
	[bflag:$0x0] =	sbarrier.arrive $0xFFFF  }
0x59: {  	[tilespmem:s31], [sflag:$0xB] =	stream.linear.gather [spmem:s7], $0x2800, $0x38;
	[tilespmem:$0xE600] =	vst v63  }
0x5a: {  	_ =	swait.ge [sflag:s30], $0x2800  }
0x5b: {  	[sflag:s30] =	ssyncset.done $0x0  }
0x5c: {  	v0 =	vimm.f32 $0.0e+00;
	s10 =	simm.s32 $0x0;
	s7 =	simm.s32 $0x40;
	[sflag:s30] =	ssyncadd.s32 $0xFFFFD800  }
.LBB2_9:
0x5d: {  	p0 =	sne.s32 s7, $0x9FC0;
	[tilespmem:s10+$0x2800] =	vst v0;
	s10 =	smov.u32 s7;
	s7 =	sadd.s32 $0x40, s7  }
.Ltmp4:
0x5e: {  	(pc) =	sbr.rel @p0 .LBB2_9-.Ltmp4, $2  }
0x5f: {  	_ =	sdelay $0x2  }
0x60: {  	s10 =	sshra.s32 s10, $0x2  }
.Ltmp5:
0x61: {  	[tilespmem:s10+$0x2800] =	vst v0;
	s7 =	simm.s32 $0x0;
	s30 =	simm.s32 $0x5780;
	(pc) =	sbr.rel .LBB2_11-.Ltmp5, $4  }
0x62: {  	[tilespmem:s30], [sflag:$0x1] =	stream.linear.gather [hbm4b:s8+s7], $0x1900, $0x38;
	[tilespmem:$0xE600] =	vst v63  }
0x63: {  	s31 =	simm.s32 $0x8980  }
0x64: {  	[tilespmem:s31], [sflag:$0x2] =	stream.linear.gather [hbm4b:s9+s7], $0x1900, $0x38;
	[tilespmem:$0xE600] =	vst v63  }
0x65: {  	p1 =	por $0x1, $0x1;
	s8 =	simm.s32 $0x2800;
	s9 =	simm.s32 $0x0  }
.LBB2_14:
0x66: {  	_ =	sdelay $0x3  }
0x67: {  	v12 =	vld.idx.msk [tilespmem:v12+s7+$0x0], $0xffff  }
0x68: {  	v0 =	vshra.s32 v0, $0xE;
	v13 =	vld.idx.msk [tilespmem:v13+s7+$0x0], $0xffff;
	_ =	sdelay $0x1  }
0x69: {  	v2 =	vmul.f32 v2, v11  }
0x6a: {  	v9 =	vmul.f32 v10, v9;
	[tilespmem:v3+s8+$0x0] =	vst.idx.add.f32.msk $0xffff, v7  }
0x6b: {  	[tilespmem:v1+s8+$0x0] =	vst.idx.add.f32.msk $0xffff, v2;
	v62 =	vmul.f32 v4, v12  }
0x6c: {  	[tilespmem:v0+s8+$0x0] =	vst.idx.add.f32.msk $0xffff, v9;
	v63 =	vmul.f32 v6, v13  }
0x6d: {  	[tilespmem:v5+s8+$0x0] =	vst.idx.add.f32.msk $0xffff, v62  }
0x6e: {  	[tilespmem:v8+s8+$0x0] =	vst.idx.add.f32.msk $0xffff, v63  }
.LBB2_15:
.Ltmp6:
0x6f: {  	(pc) =	sbr.rel @!p0 .LBB2_16-.Ltmp6, $2  }
0x70: {  	_ =	sdelay $0x2  }
0x71: {  	s9 =	simm.s32 $0x1;
	p1 =	por $0x0, $0x0  }
.LBB2_11:
0x72: {  	s10 =	sshll.u32 s9, $0x4  }
0x73: {  	s11 =	sor.u32 s1, s10  }
0x74: {  	p2 =	sgt.u32 s11, $0x18  }
.Ltmp7:
0x75: {  	_ = 	snop;
	(pc) =	sbr.rel @p2 .LBB2_15-.Ltmp7, $2  }
0x76: {  	_ =	sdelay $0x2  }
0x77: {  	p0 =	por p1, p1  }
0x78: {  	p1 =	sgt.u32 s11, $0x8  }
0x79: {  	s11 =	sxor.u32 @!p1 $0x1, s9  }
0x7a: {  	s12 =	smul.u32 @!p1 $0x1900, s11;
	s11 =	sshll.u32 @!p1 s11, $0x2  }
0x7b: {  	s10 =	sshrl.u32 s10, $0x2;
	s11 =	sand.u32 @!p1 $0x3FFFFFFC, s11  }
0x7c: {  	s15 =	simm.s32 @!p1 $0x0;
	s13 =	sadd.s32 @!p1 $0x5780, s12;
	s14 =	sor.u32 @!p1 $0x1, s11  }
0x7d: {  	[tilespmem:s13], [sflag:s14] =	stream.linear.gather @!p1 [hbm4b:s4+s15], $0x1900, $0x38;
	[tilespmem:$0xE600] =	vst v63  }
0x7e: {  	s25 =	sadd.s32 $0x1, s10;
	s12 =	sadd.s32 @!p1 $0x8980, s12;
	s11 =	sor.u32 @!p1 $0x2, s11  }
0x7f: {  	[tilespmem:s12], [sflag:s11] =	stream.linear.gather @!p1 [hbm4b:s6+s15], $0x1900, $0x38;
	[tilespmem:$0xE600] =	vst v63  }
0x80: {  	_ =	swait.ge [sflag:s25], $0x1900  }
0x81: {  	s9 =	smul.u32 $0x1900, s9;
	[sflag:s25] =	ssyncset.done $0x0  }
0x82: {  	s10 =	sadd.s32 $0x2, s10;
	[sflag:s25] =	ssyncadd.s32 $0xFFFFE700  }
0x83: {  	s26 =	simm.s32 $0x0;
	s28 =	sadd.s32 $0x0, s9;
	_ =	swait.ge [sflag:s10], $0x1900  }
0x84: {  	s12 =	sand.u32 $0x3F80, s28;
	s11 =	sand.u32 $0x40, s26;
	[sflag:s10] =	ssyncset.done $0x0  }
0x85: {  	s29 =	sor.u32 s11, s12;
	[sflag:s10] =	ssyncadd.s32 $0xFFFFE700  }
0x86: {  	v0 =	vld [tilespmem:s29+$0x57B0];
	_ =	sdelay $0x2  }
0x87: {  	v1 =	vld [tilespmem:s29+$0x5780]  }
0x88: {  	v2 =	vld [tilespmem:s29+$0x5790]  }
0x89: {  	v3 =	vld [tilespmem:s29+$0x57A0];
	v4 =	vand.u32 $0x3FFF, v0  }
0x8a: {  	v5 =	vld [tilespmem:s29+$0x8980]  }
0x8b: {  	v7 =	vld [tilespmem:s29+$0x8990]  }
0x8c: {  	s30 =	simm.s32 $0x40;
	s31 =	sadd.s32 $0x40, s9;
	v10 =	vld [tilespmem:s29+$0x89B0];
	v6 =	vand.u32 $0x3FFF, v1  }
0x8d: {  	s11 =	sand.u32 $0x3F80, s31;
	s10 =	sand.u32 $0x40, s30;
	v11 =	vld [tilespmem:s29+$0x89A0];
	v8 =	vand.u32 $0x3FFF, v2  }
0x8e: {  	s10 =	sor.u32 s10, s11;
	v9 =	vand.u32 $0x3FFF, v3;
	v4 =	vld.idx.msk [tilespmem:v4+s7+$0x0], $0xffff  }
0x8f: {  	v14 =	vld [tilespmem:s10+$0x5790]  }
0x90: {  	v12 =	vshra.s32 v0, $0xE;
	v0 =	vld [tilespmem:s10+$0x57B0]  }
0x91: {  	v6 =	vld.idx.msk [tilespmem:v6+s7+$0x0], $0xffff  }
0x92: {  	v8 =	vld.idx.msk [tilespmem:v8+s7+$0x0], $0xffff  }
0x93: {  	v13 =	vld.idx.msk [tilespmem:v9+s7+$0x0], $0xffff;
	v4 =	vmul.f32 v10, v4  }
0x94: {  	v9 =	vshra.s32 v2, $0xE;
	v10 =	vld [tilespmem:s10+$0x5780]  }
0x95: {  	[tilespmem:v12+s8+$0x0] =	vst.idx.add.f32.msk $0xffff, v4;
	v12 =	vand.u32 $0x3FFF, v0  }
0x96: {  	v15 =	vld [tilespmem:s10+$0x57A0]  }
0x97: {  	v1 =	vshra.s32 v1, $0xE;
	v2 =	vld [tilespmem:s10+$0x8980];
	v7 =	vmul.f32 v7, v8  }
0x98: {  	v5 =	vmul.f32 v5, v6;
	v6 =	vld [tilespmem:s10+$0x89A0]  }
0x99: {  	[tilespmem:v9+s8+$0x0] =	vst.idx.add.f32.msk $0xffff, v7;
	v16 =	vand.u32 $0x3FFF, v10  }
0x9a: {  	v9 =	vld.idx.msk [tilespmem:v12+s7+$0x0], $0xffff;
	v12 =	vand.u32 $0x3FFF, v14  }
0x9b: {  	v4 =	vld [tilespmem:s10+$0x8990];
	v7 =	vmul.f32 v11, v13;
	v13 =	vand.u32 $0x3FFF, v15  }
0x9c: {  	v3 =	vshra.s32 v3, $0xE;
	[tilespmem:v1+s8+$0x0] =	vst.idx.add.f32.msk $0xffff, v5  }
0x9d: {  	v1 =	vshra.s32 v10, $0xE;
	v10 =	vld [tilespmem:s10+$0x89B0]  }
0x9e: {  	s11 =	simm.s32 $0x80;
	v8 =	vshra.s32 v15, $0xE;
	v5 =	vshra.s32 v14, $0xE;
	s10 =	simm.s32 $0x4;
	v11 =	vld.idx.msk [tilespmem:v16+s7+$0x0], $0xffff  }
.LBB2_13:
0x9f: {  	s12 =	sadd.s32 s11, s9;
	s10 =	sadd.s32 $0x4, s10;
	v12 =	vld.idx.msk [tilespmem:v12+s7+$0x0], $0xffff;
	v14 =	vshra.s32 v0, $0xE  }
0xa0: {  	s13 =	sand.u32 $0x40, s11;
	s12 =	sand.u32 $0x3F80, s12;
	p1 =	slt.u32 s10, $0x18C;
	v13 =	vld.idx.msk [tilespmem:v13+s7+$0x0], $0xffff  }
0xa1: {  	s12 =	sor.u32 s13, s12;
	[tilespmem:v3+s8+$0x0] =	vst.idx.add.f32.msk $0xffff, v7;
	v3 =	vmov v8  }
0xa2: {  	v7 =	vmul.f32 v10, v9;
	v0 =	vld [tilespmem:s12+$0x57B0]  }
0xa3: {  	v8 =	vld [tilespmem:s12+$0x5780]  }
0xa4: {  	v9 =	vmul.f32 v2, v11;
	[tilespmem:v14+s8+$0x0] =	vst.idx.add.f32.msk $0xffff, v7  }
0xa5: {  	v11 =	vmul.f32 v4, v12;
	v10 =	vld [tilespmem:s12+$0x5790]  }
0xa6: {  	v7 =	vmul.f32 v6, v13;
	v14 =	vld [tilespmem:s12+$0x57A0]  }
0xa7: {  	v2 =	vld [tilespmem:s12+$0x8980];
	v15 =	vand.u32 $0x3FFF, v0  }
0xa8: {  	v16 =	vand.u32 $0x3FFF, v8;
	v8 =	vshra.s32 v8, $0xE;
	v4 =	vld [tilespmem:s12+$0x8990]  }
0xa9: {  	v6 =	vld [tilespmem:s12+$0x89A0]  }
.Ltmp8:
0xaa: {  	v12 =	vand.u32 $0x3FFF, v10;
	v10 =	vshra.s32 v10, $0xE;
	[tilespmem:v1+s8+$0x0] =	vst.idx.add.f32.msk $0xffff, v9;
	v1 =	vmov v8;
	(pc) =	sbr.rel @p1 .LBB2_13-.Ltmp8, $4  }
0xab: {  	v13 =	vand.u32 $0x3FFF, v14;
	v8 =	vshra.s32 v14, $0xE;
	[tilespmem:v5+s8+$0x0] =	vst.idx.add.f32.msk $0xffff, v11;
	v5 =	vmov v10  }
0xac: {  	v9 =	vld.idx.msk [tilespmem:v15+s7+$0x0], $0xffff  }
0xad: {  	v10 =	vld [tilespmem:s12+$0x89B0]  }
0xae: {  	s11 =	sadd.s32 $0x40, s11;
	v11 =	vld.idx.msk [tilespmem:v16+s7+$0x0], $0xffff  }
.Ltmp9:
0xaf: {  	_ = 	snop;
	(pc) =	sbr.rel .LBB2_14-.Ltmp9, $1  }
0xb0: {  	_ =	sdelay $0x3  }
.LBB2_16:
0xb1: {  	s4 =	simm.s32 $0x80  }
0xb2: {  	s6 =	simm.s32 $0x400;
	s7 =	simm.s32 $0x2800;
	s31 =	simm.s32 $0xB  }
0xb3: {  	[spmem:s5] =	stream.strided.scatter [tilespmem:s7], [sflag:$0xB], $0x2800, s6, s4, $0x38;
	[tilespmem:$0xE600] =	vst v63  }
0xb4: {  	_ =	swait.ge [sflag:s31], $0x2800  }
0xb5: {  	[sflag:s31] =	ssyncset.done $0x0  }
0xb6: {  	[sflag:s31] =	ssyncadd.s32 $0xFFFFD800  }
0xb7: {  	v0 =	vimm.f32 $0.0e+00;
	s4 =	simm.s32 $0x40;
	s5 =	simm.s32 $0x0;
	[bflag:$0x0] =	sbarrier.arrive $0xFFFF  }
.LBB2_17:
0xb8: {  	p0 =	sne.s32 s4, $0x9C0;
	[tilespmem:s5+$0x5500] =	vst v0;
	s5 =	smov.u32 s4;
	s4 =	sadd.s32 $0x40, s4  }
.Ltmp10:
0xb9: {  	(pc) =	sbr.rel @p0 .LBB2_17-.Ltmp10, $2  }
0xba: {  	_ =	sdelay $0x2  }
0xbb: {  	s5 =	sshra.s32 s5, $0x2  }
0xbc: {  	[tilespmem:s5+$0x5500] =	vst v0;
	s4 =	simm.s32 $0x80;
	s31 =	simm.s32 $0x400;
	s6 =	simm.s32 $0x5000  }
0xbd: {  	[tilespmem:s6], [sflag:$0x9] =	stream.strided.gather [spmem:s3], $0x280, s31, s4, $0x38;
	[tilespmem:$0xE600] =	vst v63  }
0xbe: {  	p0 =	por $0x0, $0x0;
	s5 =	simm.s32 $0x0;
	s4 =	simm.s32 $0x0  }
.LBB2_20:
0xbf: {  	s6 =	smov.u32 s5  }
0xc0: {  	s5 =	sadd.s32 $0x1, s5;
	p1 =	seq.s32 s6, $0xF  }
0xc1: {  	s9 =	sshrl.u32 @!p1 s5, $0x3  }
0xc2: {  	s7 =	sand.u32 @!p1 $0x1, s5;
	s9 =	smul.u32 @!p1 $0x50000, s9  }
0xc3: {  	s6 =	sand.u32 $0x1, s6;
	s10 =	sshll.u32 @!p1 s5, $0x7;
	s8 =	smul.u32 @!p1 $0xA00, s7  }
0xc4: {  	s11 =	simm.s32 @!p1 $0x400;
	s7 =	sadd.s32 @!p1 $0x9, s7;
	s9 =	sshra.s32 @!p1 s9, $0x2  }
0xc5: {  	s10 =	sand.u32 @!p1 $0x380, s10;
	s8 =	sshrl.u32 @!p1 s8, $0x2;
	s9 =	sadd.s32 @!p1 s9, s3  }
0xc6: {  	s8 =	sor.u32 @!p1 $0x5000, s8;
	s9 =	sadd.s32 @!p1 s10, s9;
	s10 =	simm.s32 @!p1 $0x80  }
0xc7: {  	[tilespmem:s8], [sflag:s7] =	stream.strided.gather @!p1 [spmem:s9], $0x280, s11, s10, $0x38;
	[tilespmem:$0xE600] =	vst v63  }
0xc8: {  	s17 =	sadd.s32 $0x9, s6;
	s7 =	simm.s32 $0x1  }
0xc9: {  	s7 =	simm.s32 @!p0 $0x0;
	_ =	swait.ge [sflag:s17], $0x280  }
0xca: {  	s6 =	smul.u32 $0x280, s7;
	[sflag:s17] =	ssyncset.done $0x0  }
0xcb: {  	s7 =	simm.s32 $0x5520;
	[sflag:s17] =	ssyncadd.s32 $0xFFFFFD80  }
0xcc: {  	s18 =	sadd.s32 $0x0, s6;
	v0 =	vld [tilespmem:s7+$0x10]  }
0xcd: {  	s19 =	simm.s32 $0x30;
	v7 =	vld [tilespmem:s7+$0xFFFFFFF0];
	s8 =	sand.u32 $0x780, s18  }
0xce: {  	s20 =	simm.s32 $0x10;
	s9 =	sand.u32 $0x70, s19;
	v8 =	vld [tilespmem:s7+$0x0];
	s8 =	sor.u32 $0x5000, s8  }
0xcf: {  	s21 =	simm.s32 $0x20;
	s10 =	sand.u32 $0x50, s20;
	v9 =	vld [tilespmem:s7+$0xFFFFFFE0];
	s9 =	sor.u32 s9, s8  }
0xd0: {  	s12 =	sand.u32 $0x40, s4;
	s22 =	sand.u32 $0x60, s21;
	s10 =	sor.u32 s10, s8;
	v2 =	vld [tilespmem:s9+$0x0]  }
0xd1: {  	s24 =	sadd.s32 $0x40, s6;
	s23 =	sor.u32 s12, s8;
	s8 =	sor.u32 s22, s8;
	v3 =	vld [tilespmem:s10+$0x0]  }
0xd2: {  	s25 =	simm.s32 $0x50;
	s26 =	simm.s32 $0x70;
	v6 =	vld [tilespmem:s8+$0x0];
	s8 =	sand.u32 $0x780, s24  }
0xd3: {  	v5 =	vld [tilespmem:s23+$0x0];
	s10 =	sand.u32 $0x70, s26;
	s28 =	sor.u32 $0x5000, s8;
	s8 =	simm.s32 $0x5560  }
0xd4: {  	s29 =	simm.s32 $0x40;
	s9 =	sand.u32 $0x50, s25;
	v1 =	vld [tilespmem:s8+$0x10];
	s10 =	sor.u32 s10, s28  }
0xd5: {  	s13 =	simm.s32 $0x60;
	s12 =	sand.u32 $0x40, s29;
	s9 =	sor.u32 s9, s28;
	v4 =	vld [tilespmem:s10+$0x0];
	v2 =	vadd.f32 v2, v0  }
0xd6: {  	s30 =	sand.u32 $0x60, s13;
	s12 =	sor.u32 s12, s28;
	v7 =	vadd.f32 v3, v7;
	v0 =	vld [tilespmem:s9+$0x0]  }
0xd7: {  	s31 =	sor.u32 s30, s28;
	v3 =	vld [tilespmem:s12+$0x0];
	[tilespmem:s7+$0x10] =	vst v2  }
0xd8: {  	s11 =	simm.s32 $0x80;
	s10 =	simm.s32 $0x4;
	v6 =	vadd.f32 v6, v8;
	v5 =	vadd.f32 v5, v9;
	s9 =	simm.s32 $0x5560;
	v2 =	vld [tilespmem:s31+$0x0];
	[tilespmem:s7+$0xFFFFFFF0] =	vst v7  }
.LBB2_21:
0xd9: {  	s12 =	sadd.s32 s11, s6  }
0xda: {  	s13 =	sadd.s32 $0x10, s11;
	s10 =	sadd.s32 $0x4, s10;
	v7 =	vld [tilespmem:s8+$0xFFFFFFF0];
	[tilespmem:s7+$0x0] =	vst v6;
	s14 =	sadd.s32 $0x30, s11  }
0xdb: {  	s12 =	sand.u32 $0x780, s12;
	p1 =	slt.u32 s10, $0x24;
	v6 =	vld [tilespmem:s8+$0x0];
	v4 =	vadd.f32 v4, v1;
	[tilespmem:s7+$0xFFFFFFE0] =	vst v5;
	s8 =	sadd.s32 $0x40, s8  }
0xdc: {  	s13 =	sand.u32 $0x50, s13;
	s7 =	sor.u32 $0x5000, s12;
	s12 =	sand.u32 $0x70, s14;
	v5 =	vld [tilespmem:s9+$0xFFFFFFE0]  }
.Ltmp11:
0xdd: {  	s14 =	sadd.s32 $0x20, s11;
	v1 =	vld [tilespmem:s8+$0x10];
	s12 =	sor.u32 s12, s7;
	[tilespmem:s9+$0x10] =	vst v4;
	(pc) =	sbr.rel @p1 .LBB2_21-.Ltmp11, $4  }
0xde: {  	s15 =	sand.u32 $0x40, s11;
	s13 =	sor.u32 s13, s7;
	s14 =	sand.u32 $0x60, s14;
	v8 =	vmov v3;
	v4 =	vld [tilespmem:s12+$0x0]  }
0xdf: {  	s12 =	sor.u32 s15, s7;
	s14 =	sor.u32 s14, s7;
	s7 =	smov.u32 s9;
	v7 =	vadd.f32 v0, v7;
	v0 =	vld [tilespmem:s13+$0x0]  }
0xe0: {  	s9 =	smov.u32 s8;
	v3 =	vld [tilespmem:s12+$0x0];
	v6 =	vadd.f32 v2, v6  }
0xe1: {  	s11 =	sadd.s32 $0x40, s11;
	v2 =	vld [tilespmem:s14+$0x0];
	v5 =	vadd.f32 v8, v5;
	[tilespmem:s7+$0xFFFFFFF0] =	vst v7  }
0xe2: {  	v7 =	vld [tilespmem:s8+$0xFFFFFFF0]  }
0xe3: {  	v8 =	vld [tilespmem:s8+$0x0]  }
0xe4: {  	v9 =	vld [tilespmem:s9+$0xFFFFFFE0];
	_ =	sdelay $0x1  }
0xe5: {  	[tilespmem:s7+$0x0] =	vst v6;
	v1 =	vadd.f32 v4, v1  }
0xe6: {  	[tilespmem:s7+$0xFFFFFFE0] =	vst v5;
	v0 =	vadd.f32 v0, v7  }
0xe7: {  	[tilespmem:s9+$0x10] =	vst v1;
	v62 =	vadd.f32 v2, v8  }
0xe8: {  	v63 =	vadd.f32 v3, v9;
	[tilespmem:s9+$0xFFFFFFF0] =	vst v0  }
0xe9: {  	[tilespmem:s9+$0x0] =	vst v62  }
0xea: {  	[tilespmem:s9+$0xFFFFFFE0] =	vst v63  }
0xeb: {  	p1 =	seq.s32 s5, $0x10  }
.Ltmp12:
0xec: {  	_ = 	snop;
	(pc) =	sbr.rel @!p1 .LBB2_20-.Ltmp12, $2  }
0xed: {  	_ =	sdelay $0x2  }
0xee: {  	p0 =	por !p0, !p0  }
0xef: {  	s3 =	simm.s32 $0x0;
	s4 =	simm.s32 $0x5500;
	s31 =	simm.s32 $0xB  }
0xf0: {  	[hbm4b:s2+s3] =	stream.linear.scatter [tilespmem:s4], [sflag:$0xB], $0x280, $0x38;
	[tilespmem:$0xE600] =	vst v63  }
0xf1: {  	_ =	swait.ge [sflag:s31], $0x280  }
0xf2: {  	[sflag:s31] =	ssyncset.done $0x0  }
0xf3: {  	[sflag:s31] =	ssyncadd.s32 $0xFFFFFD80  }
.LBB2_24:
0xf4: {  	_ =	sfence.sel $0x180000  }
0xf5: {  	[bflag:$0x0] =	sbarrier.arrive $0xFFFF  }
0xf6: {  	p0 =	sne.s32 s1, $0x0;
	_ =	strace $0x9000004A  }
0xf7: {  	s0 =	sadd.s32 @!p0 $0x100000, s0;
	[bflag:$0x2] =	sbarrier.arrive $0xFFFF  }
0xf8: {  	[sflag:s0] =	ssyncadd.tile.s32 @!p0 $0x1;
	_ =	shalt  }
.Lfunc_end2:
_tile_overlayer_lowered:
.L_overlay_start_2:
0xf9: {  	(tag) =	ssettag $0x2  }
0xfa: {  	s0 =	rddreg [dreg:$0x0];
	s2 =	stileid.u32  }
0xfb: {  	s1 =	rddreg [dreg:$0x1];
	p0 =	sne.s32 s2, $0x0  }
0xfc: {  	s3 =	rddreg [dreg:$0x2];
	[bflag:$0x3] =	sbarrier.arrive $0xFFFF;
	s2 =	simm.s32 @!p0 $0x1C0B  }
0xfd: {  	[timem:s3], [sflag:s2] =	dma.local @!p0 [hbm:s0], s1  }
0xfe: {  	s0 =	simm.s32 @!p0 $0xB  }
0xff: {  	_ =	swait.ge @!p0 [sflag:s0], s1  }
0x100: {  	s1 =	ssub.s32 @!p0 $0x0, s1;
	[sflag:s0] =	ssyncset.done @!p0 $0x0  }
0x101: {  	[sflag:s0] =	ssyncadd.s32 @!p0 s1  }
0x102: {  	[bflag:$0x3] =	sbarrier.arrive $0xFFFF  }
0x103: {  	_ =	shalt  }

</sc_bundles>
